<compile_context>
chip_gen: v7x
topology: tpu7x:2x2x1
jax: 0.10.2.dev20260603
libtpu: 0.0.44.dev20260713+nightly
codegen_flags: <defaults>
</compile_context>

<pallas_src>
import functools

import jax
import jax.numpy as jnp
from jax import lax
from jax.experimental import pallas as pl
from jax.experimental.pallas import tpu as pltpu
from jax.experimental.pallas import tpu_sc as plsc

_N = 10000
_E = 320000
_DIN = 128
_DIM = 256
_G = 128

_NC = 2
_NS = 16
_NW = _NC * _NS
_EW = _E // _NW
_C = 80
_NCHUNK = _EW // _C
_RPT = 624
_TAIL = _N - _NS * _RPT

@functools.cache
def _edge_agg_fn():
    mesh = plsc.VectorSubcoreMesh(core_axis_name="c", subcore_axis_name="s")

    @functools.partial(
        pl.kernel,
        mesh=mesh,
        out_type=jax.ShapeDtypeStruct((_NC * _N, _DIN), jnp.float32),
        scratch_types=[
            pltpu.VMEM((_EW,), jnp.int32),
            pltpu.VMEM((_NCHUNK, _C), jnp.int32),
            pltpu.VMEM((_C, _DIN), jnp.float32),
            pltpu.VMEM((_C, _DIN), jnp.float32),
            pltpu.VMEM_SHARED((_N, _DIN), jnp.float32),
            pltpu.SemaphoreType.DMA,
            pltpu.SemaphoreType.DMA,
            pltpu.SemaphoreType.DMA,
        ],
    )
    def _edge_agg(src_hbm, dst_hbm, x_hbm, out_hbm,
                  src_v, dst_v, rows0_v, rows1_v, agg_sh,
                  sem0, sem1, semz):
        cid = lax.axis_index("c")
        sid = lax.axis_index("s")
        wid = cid * _NS + sid
        _ZREM = _RPT - (_RPT // _C) * _C

        pltpu.async_copy(src_hbm.at[pl.ds(wid * _EW, _EW)], src_v, sem0)
        pltpu.async_copy(dst_hbm.at[wid], dst_v, sem1)

        zvec = jnp.zeros((16,), jnp.float32)

        def _zfill(k, carry):
            r = k // (_DIN // 16)
            col = (k % (_DIN // 16)) * 16
            rows0_v[r, pl.ds(col, 16)] = zvec
            return carry

        lax.fori_loop(0, _C * (_DIN // 16), _zfill, 0)

        def _zcopy(k, carry):
            pltpu.async_copy(rows0_v,
                             agg_sh.at[pl.ds(sid * _RPT + k * _C, _C)],
                             semz)
            return carry

        lax.fori_loop(0, _RPT // _C, _zcopy, 0)
        pltpu.async_copy(rows0_v.at[pl.ds(0, _ZREM)],
                         agg_sh.at[pl.ds(sid * _RPT + (_RPT // _C) * _C,
                                         _ZREM)], semz)

        @pl.when(sid == _NS - 1)
        def _ztail():
            pltpu.async_copy(rows0_v.at[pl.ds(0, _TAIL)],
                             agg_sh.at[pl.ds(_NS * _RPT, _TAIL)], semz)

        def _zdrain(k, carry):
            pltpu.make_async_copy(
                rows0_v, agg_sh.at[pl.ds(sid * _RPT + k * _C, _C)],
                semz).wait()
            return carry

        lax.fori_loop(0, _RPT // _C, _zdrain, 0)
        pltpu.make_async_copy(
            rows0_v.at[pl.ds(0, _ZREM)],
            agg_sh.at[pl.ds(sid * _RPT + (_RPT // _C) * _C, _ZREM)],
            semz).wait()

        @pl.when(sid == _NS - 1)
        def _ztaildrain():
            pltpu.make_async_copy(rows0_v.at[pl.ds(0, _TAIL)],
                                  agg_sh.at[pl.ds(_NS * _RPT, _TAIL)],
                                  semz).wait()

        plsc.subcore_barrier()

        pltpu.make_async_copy(src_hbm.at[pl.ds(wid * _EW, _EW)],
                              src_v, sem0).wait()
        pltpu.make_async_copy(dst_hbm.at[wid], dst_v, sem1).wait()

        pltpu.async_copy(x_hbm.at[src_v.at[pl.ds(0, _C)]], rows0_v, sem0)

        def _body(j, carry):
            @pl.when(j % 2 == 0)
            def _even():
                pltpu.make_async_copy(x_hbm.at[src_v.at[pl.ds(j * _C, _C)]],
                                      rows0_v, sem0).wait()

                @pl.when(j + 1 < _NCHUNK)
                def _pf():
                    pltpu.async_copy(
                        x_hbm.at[src_v.at[pl.ds((j + 1) * _C, _C)]],
                        rows1_v, sem1)

                pltpu.sync_copy(rows0_v, agg_sh.at[dst_v.at[j]], add=True)

            @pl.when(j % 2 == 1)
            def _odd():
                pltpu.make_async_copy(x_hbm.at[src_v.at[pl.ds(j * _C, _C)]],
                                      rows1_v, sem1).wait()

                @pl.when(j + 1 < _NCHUNK)
                def _pf():
                    pltpu.async_copy(
                        x_hbm.at[src_v.at[pl.ds((j + 1) * _C, _C)]],
                        rows0_v, sem0)

                pltpu.sync_copy(rows1_v, agg_sh.at[dst_v.at[j]], add=True)

            return carry

        lax.fori_loop(0, _NCHUNK, _body, 0)
        plsc.subcore_barrier()

        pltpu.sync_copy(agg_sh.at[pl.ds(sid * _RPT, _RPT)],
                        out_hbm.at[pl.ds(cid * _N + sid * _RPT, _RPT)])

        @pl.when(sid == _NS - 1)
        def _ptail():
            pltpu.sync_copy(agg_sh.at[pl.ds(_NS * _RPT, _TAIL)],
                            out_hbm.at[pl.ds(cid * _N + _NS * _RPT, _TAIL)])

    return _edge_agg


_BLK = 400
_NSTEP = _N // _BLK


def _tc_body(x_ref, a0_ref, a1_ref, batch_ref, w1_ref, b1_ref, w2_ref, b2_ref,
             sc_ref, sh_ref, f1w_ref, f1b_ref, f2w_ref, f2b_ref,
             out_ref, acc_ref):
    i = pl.program_id(0)
    h = x_ref[...] + a0_ref[...] + a1_ref[...]
    h1 = jnp.maximum(
        jnp.dot(h, w1_ref[...], preferred_element_type=jnp.float32)
        + b1_ref[...], 0.0)
    h2 = (jnp.dot(h1, w2_ref[...], preferred_element_type=jnp.float32)
          + b2_ref[...])
    h2 = jnp.maximum(h2, 0.0) * sc_ref[...] + sh_ref[...]

    b_row = batch_ref[0, :, :]
    ohT = (jnp.broadcast_to(b_row, (_G, _BLK))
           == lax.broadcasted_iota(jnp.int32, (_G, _BLK), 0)
           ).astype(jnp.float32)
    pooled = jnp.dot(ohT, h2, preferred_element_type=jnp.float32,
                     precision=lax.Precision.HIGHEST)

    @pl.when(i == 0)
    def _init():
        acc_ref[...] = jnp.zeros_like(acc_ref)

    acc_ref[...] += pooled

    @pl.when(i == _NSTEP - 1)
    def _head():
        g = acc_ref[...]
        gg = jnp.maximum(
            jnp.dot(g, f1w_ref[...], preferred_element_type=jnp.float32)
            + f1b_ref[...], 0.0)
        out_ref[...] = (jnp.dot(gg, f2w_ref[...],
                                preferred_element_type=jnp.float32)
                        + f2b_ref[...])


_tc_call = pl.pallas_call(
    _tc_body,
    grid=(_NSTEP,),
    in_specs=[
        pl.BlockSpec((_BLK, _DIN), lambda i: (i, 0)),
        pl.BlockSpec((_BLK, _DIN), lambda i: (i, 0)),
        pl.BlockSpec((_BLK, _DIN),
                     lambda i: (i + _N // _BLK, 0)),
        pl.BlockSpec((1, 1, _BLK), lambda i: (i, 0, 0)),
        pl.BlockSpec((_DIN, _DIM), lambda i: (0, 0)),
        pl.BlockSpec((1, _DIM), lambda i: (0, 0)),
        pl.BlockSpec((_DIM, _DIM), lambda i: (0, 0)),
        pl.BlockSpec((1, _DIM), lambda i: (0, 0)),
        pl.BlockSpec((1, _DIM), lambda i: (0, 0)),
        pl.BlockSpec((1, _DIM), lambda i: (0, 0)),
        pl.BlockSpec((_DIM, _DIM), lambda i: (0, 0)),
        pl.BlockSpec((1, _DIM), lambda i: (0, 0)),
        pl.BlockSpec((_DIM, _G), lambda i: (0, 0)),
        pl.BlockSpec((1, _G), lambda i: (0, 0)),
    ],
    out_specs=pl.BlockSpec((_G, _G), lambda i: (0, 0)),
    out_shape=jax.ShapeDtypeStruct((_G, _G), jnp.float32),
    scratch_shapes=[pltpu.VMEM((_G, _DIM), jnp.float32)],
)


def kernel(x, edge_index, batch, W1, b1, W2, b2, bn_g, bn_b,
           fc1_W, fc1_b, fc2_W, fc2_b):
    src = edge_index[0]
    dst = edge_index[1].reshape(_NW, _NCHUNK, _C)
    agg2 = _edge_agg_fn()(src, dst, x)
    scale = (bn_g / jnp.sqrt(1.0 + 1e-5)).reshape(1, _DIM)
    shift = bn_b.reshape(1, _DIM)
    batch3 = batch.reshape(_NSTEP, 1, _BLK)
    f2wp = jnp.pad(fc2_W, ((0, 0), (0, _G - 1)))
    f2bp = jnp.pad(fc2_b, (0, _G - 1)).reshape(1, _G)
    outp = _tc_call(x, agg2, agg2, batch3, W1, b1.reshape(1, _DIM), W2,
                    b2.reshape(1, _DIM), scale, shift, fc1_W,
                    fc1_b.reshape(1, _DIM), f2wp, f2bp)
    return outp[:, :1]

# --- scband reference (transcript-rebuilt; emitter-appended) ---
"""Pipeline reference for scband-gin-7662221656771 (READ-ONLY COPY).

The authoritative reference and input builder live on the scoring server;
editing this copy changes nothing except your own understanding.
"""

import jax, jax.numpy as jnp
import numpy as np

N = 10000
E = 320000
D_IN = 128
DIM = 256
G = 128

def setup_inputs(seed: int = 0) -> dict:
    key = jax.random.key(seed)
    ks = jax.random.split(key, 16)
    x = jax.random.normal(ks[0], (N, D_IN), dtype=jnp.float32)
    edge_index = jax.random.randint(ks[1], (2, E), 0, N, dtype=jnp.int32)
    batch = jnp.sort(jax.random.randint(ks[2], (N,), 0, G, dtype=jnp.int32))
    # GINConv mlp: Linear(D_IN, DIM), ReLU, Linear(DIM, DIM)
    W1 = jax.random.normal(ks[3], (D_IN, DIM), dtype=jnp.float32) * (1.0 / np.sqrt(D_IN))
    b1 = jnp.zeros((DIM,), dtype=jnp.float32)
    W2 = jax.random.normal(ks[4], (DIM, DIM), dtype=jnp.float32) * (1.0 / np.sqrt(DIM))
    b2 = jnp.zeros((DIM,), dtype=jnp.float32)
    # BatchNorm1d (eval mode: running_mean=0, running_var=1)
    bn_g = jnp.ones((DIM,), dtype=jnp.float32)
    bn_b = jnp.zeros((DIM,), dtype=jnp.float32)
    # fc1: Linear(DIM, DIM); fc2: Linear(DIM, 1)
    fc1_W = jax.random.normal(ks[5], (DIM, DIM), dtype=jnp.float32) * (1.0 / np.sqrt(DIM))
    fc1_b = jnp.zeros((DIM,), dtype=jnp.float32)
    fc2_W = jax.random.normal(ks[6], (DIM, 1), dtype=jnp.float32) * (1.0 / np.sqrt(DIM))
    fc2_b = jnp.zeros((1,), dtype=jnp.float32)
    return {"x": x, "edge_index": edge_index, "batch": batch,
            "W1": W1, "b1": b1, "W2": W2, "b2": b2,
            "bn_g": bn_g, "bn_b": bn_b,
            "fc1_W": fc1_W, "fc1_b": fc1_b, "fc2_W": fc2_W, "fc2_b": fc2_b}

def reference(x, edge_index, batch, W1, b1, W2, b2, bn_g, bn_b, fc1_W, fc1_b, fc2_W, fc2_b):
    src = edge_index[0]
    dst = edge_index[1]
    # GINConv with eps=0: nn((1+eps)*x + sum_{j in N(i)} x_j)
    agg = jax.ops.segment_sum(x[src], dst, num_segments=N)
    h = x + agg
    h = jnp.maximum(h @ W1 + b1, 0.0) @ W2 + b2
    # relu after conv
    h = jnp.maximum(h, 0.0)
    # BatchNorm1d in eval mode: (h - running_mean)/sqrt(running_var + eps) * gamma + beta
    h = (h / jnp.sqrt(1.0 + 1e-5)) * bn_g + bn_b
    # global_add_pool over graph ids
    g = jax.ops.segment_sum(h, batch, num_segments=G)
    g = jnp.maximum(g @ fc1_W + fc1_b, 0.0)
    # dropout p=0.5: identity in eval mode
    out = g @ fc2_W + fc2_b
    return out

if __name__ == "__main__":
    import jax
    _d = setup_inputs()
    print(jax.jit(kernel)(*tuple(_d.values())))

</pallas_src>

<mosaic_0001>
#map = affine_map<(d0, d1) -> (0)>
#map1 = affine_map<(d0, d1) -> (0, 0, 0)>
#map2 = affine_map<(d0, d1) -> (0, 0)>
module attributes {stable_mosaic.version = 14 : i64} {
  func.func @_edge_agg(%arg0: i32, %arg1: i32, %arg2: memref<320000xi32, #tpu.memory_space<hbm>>, %arg3: memref<32x125x80xi32, #tpu.memory_space<hbm>>, %arg4: memref<10000x128xf32, #tpu.memory_space<hbm>>, %arg5: memref<20000x128xf32, #tpu.memory_space<hbm>>, %arg6: memref<10000xi32, #tpu.memory_space<vmem>>, %arg7: memref<125x80xi32, #tpu.memory_space<vmem>>, %arg8: memref<80x128xf32, #tpu.memory_space<vmem>>, %arg9: memref<80x128xf32, #tpu.memory_space<vmem>>, %arg10: memref<10000x128xf32, #tpu.memory_space<vmem_shared>>, %arg11: memref<!tpu.dma_semaphore, #tpu.memory_space<semaphore_mem>>, %arg12: memref<!tpu.dma_semaphore, #tpu.memory_space<semaphore_mem>>, %arg13: memref<!tpu.dma_semaphore, #tpu.memory_space<semaphore_mem>>) attributes {dimension_semantics = [#tpu.dimension_semantics<core_parallel>, #tpu.dimension_semantics<subcore_parallel>], iteration_bounds = array<i64: 2, 16>, scalar_prefetch = 0 : i64, scratch_operands = 8 : i64, tpu.core_type = #tpu.core_type<sc_vector_subcore>, window_params = [{transform_indices = #map}, {transform_indices = #map1}, {transform_indices = #map2}, {transform_indices = #map2}]} {
    %mul3A = arith.constant 16 : i32
    %mul3A_0 = arith.muli %arg0, %mul3A : i32
    %add3A = arith.addi %mul3A_0, %arg1 : i32
    %mul3A_1 = arith.constant 10000 : i32
    %mul3A_2 = arith.muli %add3A, %mul3A_1 : i32
    %dma_start3A = tpu.memref_slice %arg2[%mul3A_2] : memref<320000xi32, #tpu.memory_space<hbm>> -> memref<10000xi32, #tpu.memory_space<hbm>>
    %dma_start3A_3 = tpu.memref_slice %arg2[%mul3A_2] : memref<320000xi32, #tpu.memory_space<hbm>> -> memref<10000xi32, #tpu.memory_space<hbm>>
    tpu.enqueue_dma source(%dma_start3A_3 : memref<10000xi32, #tpu.memory_space<hbm>>) target(%arg6 : memref<10000xi32, #tpu.memory_space<vmem>>) target_semaphore(%arg11 : memref<!tpu.dma_semaphore, #tpu.memory_space<semaphore_mem>>)
    %dma_start3A_4 = arith.constant 0 : i32
    %dma_start3A_5 = arith.constant 0 : i32
    %dma_start3A_6 = tpu.memref_slice %arg3[%add3A, %dma_start3A_4, %dma_start3A_5] : memref<32x125x80xi32, #tpu.memory_space<hbm>> -> memref<1x125x80xi32, #tpu.memory_space<hbm>>
    %dma_start3A_7 = tpu.memref_squeeze %dma_start3A_6 : memref<1x125x80xi32, #tpu.memory_space<hbm>> -> memref<125x80xi32, #tpu.memory_space<hbm>>
    %dma_start3A_8 = arith.constant 0 : i32
    %dma_start3A_9 = arith.constant 0 : i32
    %dma_start3A_10 = tpu.memref_slice %arg3[%add3A, %dma_start3A_8, %dma_start3A_9] : memref<32x125x80xi32, #tpu.memory_space<hbm>> -> memref<1x125x80xi32, #tpu.memory_space<hbm>>
    %dma_start3A_11 = tpu.memref_squeeze %dma_start3A_10 : memref<1x125x80xi32, #tpu.memory_space<hbm>> -> memref<125x80xi32, #tpu.memory_space<hbm>>
    tpu.enqueue_dma source(%dma_start3A_11 : memref<125x80xi32, #tpu.memory_space<hbm>>) target(%arg7 : memref<125x80xi32, #tpu.memory_space<vmem>>) target_semaphore(%arg12 : memref<!tpu.dma_semaphore, #tpu.memory_space<semaphore_mem>>)
    %broadcast_in_dim3A = arith.constant 0.000000e+00 : f32
    %broadcast_in_dim3A_12 = vector.broadcast %broadcast_in_dim3A : f32 to vector<16xf32>
    %scan3A = arith.constant 0 : i32
    %scan3A_13 = arith.constant 0 : i32
    %scan3A_14 = arith.constant 640 : i32
    %scan3A_15 = arith.addi %scan3A_13, %scan3A_14 : i32
    %scan3A_16 = arith.constant 1 : i32
    scf.for %scan3A_100 = %scan3A_13 to %scan3A_15 step %scan3A_16  : i32 {
      %jit3A = arith.constant 8 : i32
      %div3A = arith.divsi %scan3A_100, %jit3A : i32
      %sign3A = arith.constant 0 : i32
      %sign3A_101 = arith.cmpi sgt, %scan3A_100, %sign3A : i32
      %sign3A_102 = arith.extui %sign3A_101 : i1 to i32
      %sign3A_103 = arith.constant 0 : i32
      %sign3A_104 = arith.cmpi slt, %scan3A_100, %sign3A_103 : i32
      %sign3A_105 = arith.extui %sign3A_104 : i1 to i32
      %sign3A_106 = arith.subi %sign3A_102, %sign3A_105 : i32
      %sign3A_107 = arith.constant 0 : i32
      %sign3A_108 = arith.cmpi sgt, %jit3A, %sign3A_107 : i32
      %sign3A_109 = arith.extui %sign3A_108 : i1 to i32
      %sign3A_110 = arith.constant 0 : i32
      %sign3A_111 = arith.cmpi slt, %jit3A, %sign3A_110 : i32
      %sign3A_112 = arith.extui %sign3A_111 : i1 to i32
      %sign3A_113 = arith.subi %sign3A_109, %sign3A_112 : i32
      %ne3A = arith.cmpi ne, %sign3A_106, %sign3A_113 : i32
      %rem3A = arith.remsi %scan3A_100, %jit3A : i32
      %ne3A_114 = arith.constant 0 : i32
      %ne3A_115 = arith.cmpi ne, %rem3A, %ne3A_114 : i32
      %and3A = arith.andi %ne3A, %ne3A_115 : i1
      %sub3A = arith.constant 1 : i32
      %sub3A_116 = arith.subi %div3A, %sub3A : i32
      %select_n3A = arith.select %and3A, %sub3A_116, %div3A : i32
      %jit3A_117 = arith.constant 8 : i32
      %eq3A_118 = arith.constant 0 : i32
      %eq3A_119 = arith.cmpi eq, %jit3A_117, %eq3A_118 : i32
      %jit3A_120 = arith.constant 1 : i32
      %select_n3A_121 = arith.select %eq3A_119, %jit3A_120, %jit3A_117 : i32
      %rem3A_122 = arith.remsi %scan3A_100, %select_n3A_121 : i32
      %ne3A_123 = arith.constant 0 : i32
      %ne3A_124 = arith.cmpi ne, %rem3A_122, %ne3A_123 : i32
      %lt3A = arith.constant 0 : i32
      %lt3A_125 = arith.cmpi slt, %rem3A_122, %lt3A : i32
      %lt3A_126 = arith.constant 0 : i32
      %lt3A_127 = arith.cmpi slt, %select_n3A_121, %lt3A_126 : i32
      %ne3A_128 = arith.xori %lt3A_125, %lt3A_127 : i1
      %and3A_129 = arith.andi %ne3A_128, %ne3A_124 : i1
      %add3A_130 = arith.addi %rem3A_122, %select_n3A_121 : i32
      %select_n3A_131 = arith.select %and3A_129, %add3A_130, %rem3A_122 : i32
      %mul3A_132 = arith.constant 16 : i32
      %mul3A_133 = arith.muli %select_n3A_131, %mul3A_132 : i32
      %swap3A = arith.index_cast %select_n3A : i32 to index
      %swap3A_134 = arith.index_cast %mul3A_133 : i32 to index
      %swap3A_135 = tpu.vector_load %arg8[%swap3A, %swap3A_134] {strides = array<i32>} : memref<80x128xf32, #tpu.memory_space<vmem>>, vector<1x16xf32>,
      %swap3A_136 = vector.shape_cast %swap3A_135 : vector<1x16xf32> to vector<16xf32>
      %swap3A_137 = vector.shape_cast %broadcast_in_dim3A_12 : vector<16xf32> to vector<1x16xf32>
      tpu.vector_store %arg8[%swap3A, %swap3A_134], %swap3A_137 {strides = array<i32>} : memref<80x128xf32, #tpu.memory_space<vmem>>, vector<1x16xf32>,
    }
    %scan3A_17 = arith.constant 640 : i32
    %scan3A_18 = arith.constant 0 : i32
    %scan3A_19 = arith.constant 0 : i32
    %scan3A_20 = arith.constant 7 : i32
    %scan3A_21 = arith.addi %scan3A_19, %scan3A_20 : i32
    %scan3A_22 = arith.constant 1 : i32
    scf.for %scan3A_100 = %scan3A_19 to %scan3A_21 step %scan3A_22  : i32 {
      %mul3A_101 = arith.constant 624 : i32
      %mul3A_102 = arith.muli %arg1, %mul3A_101 : i32
      %mul3A_103 = arith.constant 80 : i32
      %mul3A_104 = arith.muli %scan3A_100, %mul3A_103 : i32
      %add3A_105 = arith.addi %mul3A_102, %mul3A_104 : i32
      %dma_start3A_106 = arith.constant 0 : i32
      %dma_start3A_107 = tpu.memref_slice %arg10[%add3A_105, %dma_start3A_106] : memref<10000x128xf32, #tpu.memory_space<vmem_shared>> -> memref<80x128xf32, #tpu.memory_space<vmem_shared>>
      %dma_start3A_108 = arith.constant 0 : i32
      %dma_start3A_109 = tpu.memref_slice %arg10[%add3A_105, %dma_start3A_108] : memref<10000x128xf32, #tpu.memory_space<vmem_shared>> -> memref<80x128xf32, #tpu.memory_space<vmem_shared>>
      tpu.enqueue_dma source(%arg8 : memref<80x128xf32, #tpu.memory_space<vmem>>) target(%dma_start3A_109 : memref<80x128xf32, #tpu.memory_space<vmem_shared>>) target_semaphore(%arg13 : memref<!tpu.dma_semaphore, #tpu.memory_space<semaphore_mem>>)
    }
    %scan3A_23 = arith.constant 7 : i32
    %mul3A_24 = arith.constant 624 : i32
    %mul3A_25 = arith.muli %arg1, %mul3A_24 : i32
    %add3A_26 = arith.constant 560 : i32
    %add3A_27 = arith.addi %mul3A_25, %add3A_26 : i32
    %dma_start3A_28 = arith.constant 0 : i32
    %dma_start3A_29 = arith.constant 0 : i32
    %dma_start3A_30 = tpu.memref_slice %arg8[%dma_start3A_28, %dma_start3A_29] : memref<80x128xf32, #tpu.memory_space<vmem>> -> memref<64x128xf32, #tpu.memory_space<vmem>>
    %dma_start3A_31 = arith.constant 0 : i32
    %dma_start3A_32 = tpu.memref_slice %arg10[%add3A_27, %dma_start3A_31] : memref<10000x128xf32, #tpu.memory_space<vmem_shared>> -> memref<64x128xf32, #tpu.memory_space<vmem_shared>>
    %dma_start3A_33 = arith.constant 0 : i32
    %dma_start3A_34 = tpu.memref_slice %arg10[%add3A_27, %dma_start3A_33] : memref<10000x128xf32, #tpu.memory_space<vmem_shared>> -> memref<64x128xf32, #tpu.memory_space<vmem_shared>>
    %dma_start3A_35 = arith.constant 0 : i32
    %dma_start3A_36 = arith.constant 0 : i32
    %dma_start3A_37 = tpu.memref_slice %arg8[%dma_start3A_35, %dma_start3A_36] : memref<80x128xf32, #tpu.memory_space<vmem>> -> memref<64x128xf32, #tpu.memory_space<vmem>>
    tpu.enqueue_dma source(%dma_start3A_37 : memref<64x128xf32, #tpu.memory_space<vmem>>) target(%dma_start3A_34 : memref<64x128xf32, #tpu.memory_space<vmem_shared>>) target_semaphore(%arg13 : memref<!tpu.dma_semaphore, #tpu.memory_space<semaphore_mem>>)
    %eq3A = arith.constant 15 : i32
    %eq3A_38 = arith.cmpi eq, %arg1, %eq3A : i32
    %convert_element_type3A = arith.extui %eq3A_38 : i1 to i32
    %cond3A = arith.constant 0 : i32
    %cond3A_39 = arith.cmpi ne, %convert_element_type3A, %cond3A : i32
    scf.if %cond3A_39 {
      %dma_start3A_100 = arith.constant 0 : i32
      %dma_start3A_101 = arith.constant 0 : i32
      %dma_start3A_102 = tpu.memref_slice %arg8[%dma_start3A_100, %dma_start3A_101] : memref<80x128xf32, #tpu.memory_space<vmem>> -> memref<16x128xf32, #tpu.memory_space<vmem>>
      %dma_start3A_103 = arith.constant 9984 : i32
      %dma_start3A_104 = arith.constant 0 : i32
      %dma_start3A_105 = tpu.memref_slice %arg10[%dma_start3A_103, %dma_start3A_104] : memref<10000x128xf32, #tpu.memory_space<vmem_shared>> -> memref<16x128xf32, #tpu.memory_space<vmem_shared>>
      %dma_start3A_106 = arith.constant 9984 : i32
      %dma_start3A_107 = arith.constant 0 : i32
      %dma_start3A_108 = tpu.memref_slice %arg10[%dma_start3A_106, %dma_start3A_107] : memref<10000x128xf32, #tpu.memory_space<vmem_shared>> -> memref<16x128xf32, #tpu.memory_space<vmem_shared>>
      %dma_start3A_109 = arith.constant 0 : i32
      %dma_start3A_110 = arith.constant 0 : i32
      %dma_start3A_111 = tpu.memref_slice %arg8[%dma_start3A_109, %dma_start3A_110] : memref<80x128xf32, #tpu.memory_space<vmem>> -> memref<16x128xf32, #tpu.memory_space<vmem>>
      tpu.enqueue_dma source(%dma_start3A_111 : memref<16x128xf32, #tpu.memory_space<vmem>>) target(%dma_start3A_108 : memref<16x128xf32, #tpu.memory_space<vmem_shared>>) target_semaphore(%arg13 : memref<!tpu.dma_semaphore, #tpu.memory_space<semaphore_mem>>)
    } else {
    }
    %scan3A_40 = arith.constant 0 : i32
    %scan3A_41 = arith.constant 0 : i32
    %scan3A_42 = arith.constant 7 : i32
    %scan3A_43 = arith.addi %scan3A_41, %scan3A_42 : i32
    %scan3A_44 = arith.constant 1 : i32
    scf.for %scan3A_100 = %scan3A_41 to %scan3A_43 step %scan3A_44  : i32 {
      %mul3A_101 = arith.constant 624 : i32
      %mul3A_102 = arith.muli %arg1, %mul3A_101 : i32
      %mul3A_103 = arith.constant 80 : i32
      %mul3A_104 = arith.muli %scan3A_100, %mul3A_103 : i32
      %add3A_105 = arith.addi %mul3A_102, %mul3A_104 : i32
      %dma_wait3A_106 = arith.constant 0 : i32
      %dma_wait3A_107 = tpu.memref_slice %arg10[%add3A_105, %dma_wait3A_106] : memref<10000x128xf32, #tpu.memory_space<vmem_shared>> -> memref<80x128xf32, #tpu.memory_space<vmem_shared>>
      %dma_wait3A_108 = arith.constant 0 : i32
      %dma_wait3A_109 = tpu.memref_slice %arg10[%add3A_105, %dma_wait3A_108] : memref<10000x128xf32, #tpu.memory_space<vmem_shared>> -> memref<80x128xf32, #tpu.memory_space<vmem_shared>>
      tpu.wait_dma2 semaphore(%arg13 : memref<!tpu.dma_semaphore, #tpu.memory_space<semaphore_mem>>) src(%arg8 : memref<80x128xf32, #tpu.memory_space<vmem>>) dst(%dma_wait3A_109 : memref<80x128xf32, #tpu.memory_space<vmem_shared>>)
    }
    %scan3A_45 = arith.constant 7 : i32
    %mul3A_46 = arith.constant 624 : i32
    %mul3A_47 = arith.muli %arg1, %mul3A_46 : i32
    %add3A_48 = arith.constant 560 : i32
    %add3A_49 = arith.addi %mul3A_47, %add3A_48 : i32
    %dma_wait3A = arith.constant 0 : i32
    %dma_wait3A_50 = arith.constant 0 : i32
    %dma_wait3A_51 = tpu.memref_slice %arg8[%dma_wait3A, %dma_wait3A_50] : memref<80x128xf32, #tpu.memory_space<vmem>> -> memref<64x128xf32, #tpu.memory_space<vmem>>
    %dma_wait3A_52 = arith.constant 0 : i32
    %dma_wait3A_53 = tpu.memref_slice %arg10[%add3A_49, %dma_wait3A_52] : memref<10000x128xf32, #tpu.memory_space<vmem_shared>> -> memref<64x128xf32, #tpu.memory_space<vmem_shared>>
    %dma_wait3A_54 = arith.constant 0 : i32
    %dma_wait3A_55 = tpu.memref_slice %arg10[%add3A_49, %dma_wait3A_54] : memref<10000x128xf32, #tpu.memory_space<vmem_shared>> -> memref<64x128xf32, #tpu.memory_space<vmem_shared>>
    %dma_wait3A_56 = arith.constant 0 : i32
    %dma_wait3A_57 = arith.constant 0 : i32
    %dma_wait3A_58 = tpu.memref_slice %arg8[%dma_wait3A_56, %dma_wait3A_57] : memref<80x128xf32, #tpu.memory_space<vmem>> -> memref<64x128xf32, #tpu.memory_space<vmem>>
    tpu.wait_dma2 semaphore(%arg13 : memref<!tpu.dma_semaphore, #tpu.memory_space<semaphore_mem>>) src(%dma_wait3A_58 : memref<64x128xf32, #tpu.memory_space<vmem>>) dst(%dma_wait3A_55 : memref<64x128xf32, #tpu.memory_space<vmem_shared>>)
    %eq3A_59 = arith.constant 15 : i32
    %eq3A_60 = arith.cmpi eq, %arg1, %eq3A_59 : i32
    %convert_element_type3A_61 = arith.extui %eq3A_60 : i1 to i32
    %cond3A_62 = arith.constant 0 : i32
    %cond3A_63 = arith.cmpi ne, %convert_element_type3A_61, %cond3A_62 : i32
    scf.if %cond3A_63 {
      %dma_wait3A_100 = arith.constant 0 : i32
      %dma_wait3A_101 = arith.constant 0 : i32
      %dma_wait3A_102 = tpu.memref_slice %arg8[%dma_wait3A_100, %dma_wait3A_101] : memref<80x128xf32, #tpu.memory_space<vmem>> -> memref<16x128xf32, #tpu.memory_space<vmem>>
      %dma_wait3A_103 = arith.constant 9984 : i32
      %dma_wait3A_104 = arith.constant 0 : i32
      %dma_wait3A_105 = tpu.memref_slice %arg10[%dma_wait3A_103, %dma_wait3A_104] : memref<10000x128xf32, #tpu.memory_space<vmem_shared>> -> memref<16x128xf32, #tpu.memory_space<vmem_shared>>
      %dma_wait3A_106 = arith.constant 9984 : i32
      %dma_wait3A_107 = arith.constant 0 : i32
      %dma_wait3A_108 = tpu.memref_slice %arg10[%dma_wait3A_106, %dma_wait3A_107] : memref<10000x128xf32, #tpu.memory_space<vmem_shared>> -> memref<16x128xf32, #tpu.memory_space<vmem_shared>>
      %dma_wait3A_109 = arith.constant 0 : i32
      %dma_wait3A_110 = arith.constant 0 : i32
      %dma_wait3A_111 = tpu.memref_slice %arg8[%dma_wait3A_109, %dma_wait3A_110] : memref<80x128xf32, #tpu.memory_space<vmem>> -> memref<16x128xf32, #tpu.memory_space<vmem>>
      tpu.wait_dma2 semaphore(%arg13 : memref<!tpu.dma_semaphore, #tpu.memory_space<semaphore_mem>>) src(%dma_wait3A_111 : memref<16x128xf32, #tpu.memory_space<vmem>>) dst(%dma_wait3A_108 : memref<16x128xf32, #tpu.memory_space<vmem_shared>>)
    } else {
    }
    %barrier3A = arith.constant 0 : index
    tpu.barrier barrier_id(%barrier3A)
    %mul3A_64 = arith.constant 10000 : i32
    %mul3A_65 = arith.muli %add3A, %mul3A_64 : i32
    %dma_wait3A_66 = tpu.memref_slice %arg2[%mul3A_65] : memref<320000xi32, #tpu.memory_space<hbm>> -> memref<10000xi32, #tpu.memory_space<hbm>>
    %dma_wait3A_67 = tpu.memref_slice %arg2[%mul3A_65] : memref<320000xi32, #tpu.memory_space<hbm>> -> memref<10000xi32, #tpu.memory_space<hbm>>
    tpu.wait_dma2 semaphore(%arg11 : memref<!tpu.dma_semaphore, #tpu.memory_space<semaphore_mem>>) src(%dma_wait3A_67 : memref<10000xi32, #tpu.memory_space<hbm>>) dst(%arg6 : memref<10000xi32, #tpu.memory_space<vmem>>)
    %dma_wait3A_68 = arith.constant 0 : i32
    %dma_wait3A_69 = arith.constant 0 : i32
    %dma_wait3A_70 = tpu.memref_slice %arg3[%add3A, %dma_wait3A_68, %dma_wait3A_69] : memref<32x125x80xi32, #tpu.memory_space<hbm>> -> memref<1x125x80xi32, #tpu.memory_space<hbm>>
    %dma_wait3A_71 = tpu.memref_squeeze %dma_wait3A_70 : memref<1x125x80xi32, #tpu.memory_space<hbm>> -> memref<125x80xi32, #tpu.memory_space<hbm>>
    %dma_wait3A_72 = arith.constant 0 : i32
    %dma_wait3A_73 = arith.constant 0 : i32
    %dma_wait3A_74 = tpu.memref_slice %arg3[%add3A, %dma_wait3A_72, %dma_wait3A_73] : memref<32x125x80xi32, #tpu.memory_space<hbm>> -> memref<1x125x80xi32, #tpu.memory_space<hbm>>
    %dma_wait3A_75 = tpu.memref_squeeze %dma_wait3A_74 : memref<1x125x80xi32, #tpu.memory_space<hbm>> -> memref<125x80xi32, #tpu.memory_space<hbm>>
    tpu.wait_dma2 semaphore(%arg12 : memref<!tpu.dma_semaphore, #tpu.memory_space<semaphore_mem>>) src(%dma_wait3A_75 : memref<125x80xi32, #tpu.memory_space<hbm>>) dst(%arg7 : memref<125x80xi32, #tpu.memory_space<vmem>>)
    %dma_start3A_76 = arith.constant 0 : i32
    %dma_start3A_77 = tpu.memref_slice %arg6[%dma_start3A_76] : memref<10000xi32, #tpu.memory_space<vmem>> -> memref<80xi32, #tpu.memory_space<vmem>>
    %dma_start3A_78 = arith.constant 0 : i32
    %dma_start3A_79 = arith.constant 0 : i32
    %dma_start3A_80 = tpu.memref_slice %arg4[%dma_start3A_78, %dma_start3A_79] : memref<10000x128xf32, #tpu.memory_space<hbm>> -> memref<10000x128xf32, #tpu.memory_space<hbm>>
    tpu.enqueue_indirect_dma source(%dma_start3A_80 : memref<10000x128xf32, #tpu.memory_space<hbm>>) target(%arg8 : memref<80x128xf32, #tpu.memory_space<vmem>>) offsets(%dma_start3A_77 : memref<80xi32, #tpu.memory_space<vmem>>) semaphore(%arg11 : memref<!tpu.dma_semaphore, #tpu.memory_space<semaphore_mem>>)
    %scan3A_81 = arith.constant 0 : i32
    %scan3A_82 = arith.constant 0 : i32
    %scan3A_83 = arith.constant 125 : i32
    %scan3A_84 = arith.addi %scan3A_82, %scan3A_83 : i32
    %scan3A_85 = arith.constant 1 : i32
    scf.for %scan3A_100 = %scan3A_82 to %scan3A_84 step %scan3A_85  : i32 {
      %jit3A = arith.constant 2 : i32
      %eq3A_101 = arith.constant 0 : i32
      %eq3A_102 = arith.cmpi eq, %jit3A, %eq3A_101 : i32
      %jit3A_103 = arith.constant 1 : i32
      %select_n3A = arith.select %eq3A_102, %jit3A_103, %jit3A : i32
      %rem3A = arith.remsi %scan3A_100, %select_n3A : i32
      %ne3A = arith.constant 0 : i32
      %ne3A_104 = arith.cmpi ne, %rem3A, %ne3A : i32
      %lt3A = arith.constant 0 : i32
      %lt3A_105 = arith.cmpi slt, %rem3A, %lt3A : i32
      %lt3A_106 = arith.constant 0 : i32
      %lt3A_107 = arith.cmpi slt, %select_n3A, %lt3A_106 : i32
      %ne3A_108 = arith.xori %lt3A_105, %lt3A_107 : i1
      %and3A = arith.andi %ne3A_108, %ne3A_104 : i1
      %add3A_109 = arith.addi %rem3A, %select_n3A : i32
      %select_n3A_110 = arith.select %and3A, %add3A_109, %rem3A : i32
      %eq3A_111 = arith.constant 0 : i32
      %eq3A_112 = arith.cmpi eq, %select_n3A_110, %eq3A_111 : i32
      %convert_element_type3A_113 = arith.extui %eq3A_112 : i1 to i32
      %cond3A_114 = arith.constant 0 : i32
      %cond3A_115 = arith.cmpi ne, %convert_element_type3A_113, %cond3A_114 : i32
      scf.if %cond3A_115 {
        %mul3A_137 = arith.constant 80 : i32
        %mul3A_138 = arith.muli %scan3A_100, %mul3A_137 : i32
        %dma_wait3A_139 = tpu.memref_slice %arg6[%mul3A_138] : memref<10000xi32, #tpu.memory_space<vmem>> -> memref<80xi32, #tpu.memory_space<vmem>>
        %dma_wait3A_140 = arith.constant 0 : i32
        %dma_wait3A_141 = arith.constant 0 : i32
        %dma_wait3A_142 = tpu.memref_slice %arg4[%dma_wait3A_140, %dma_wait3A_141] : memref<10000x128xf32, #tpu.memory_space<hbm>> -> memref<10000x128xf32, #tpu.memory_space<hbm>>
        tpu.wait_indirect_dma semaphore(%arg11 : memref<!tpu.dma_semaphore, #tpu.memory_space<semaphore_mem>>) src(%dma_wait3A_142 : memref<10000x128xf32, #tpu.memory_space<hbm>>) dst(%arg8 : memref<80x128xf32, #tpu.memory_space<vmem>>)
        %add3A_143 = arith.constant 1 : i32
        %add3A_144 = arith.addi %scan3A_100, %add3A_143 : i32
        %lt3A_145 = arith.constant 125 : i32
        %lt3A_146 = arith.cmpi slt, %add3A_144, %lt3A_145 : i32
        %convert_element_type3A_147 = arith.extui %lt3A_146 : i1 to i32
        %cond3A_148 = arith.constant 0 : i32
        %cond3A_149 = arith.cmpi ne, %convert_element_type3A_147, %cond3A_148 : i32
        scf.if %cond3A_149 {
          %add3A_150 = arith.constant 1 : i32
          %add3A_151 = arith.addi %scan3A_100, %add3A_150 : i32
          %mul3A_152 = arith.constant 80 : i32
          %mul3A_153 = arith.muli %add3A_151, %mul3A_152 : i32
          %dma_start3A_154 = tpu.memref_slice %arg6[%mul3A_153] : memref<10000xi32, #tpu.memory_space<vmem>> -> memref<80xi32, #tpu.memory_space<vmem>>
          %dma_start3A_155 = arith.constant 0 : i32
          %dma_start3A_156 = arith.constant 0 : i32
          %dma_start3A_157 = tpu.memref_slice %arg4[%dma_start3A_155, %dma_start3A_156] : memref<10000x128xf32, #tpu.memory_space<hbm>> -> memref<10000x128xf32, #tpu.memory_space<hbm>>
          tpu.enqueue_indirect_dma source(%dma_start3A_157 : memref<10000x128xf32, #tpu.memory_space<hbm>>) target(%arg9 : memref<80x128xf32, #tpu.memory_space<vmem>>) offsets(%dma_start3A_154 : memref<80xi32, #tpu.memory_space<vmem>>) semaphore(%arg12 : memref<!tpu.dma_semaphore, #tpu.memory_space<semaphore_mem>>)
        } else {
        }
        "tpu.region"() ({
          %run_scoped3A = tpu.sem_alloc : memref<!tpu.dma_semaphore, #tpu.memory_space<semaphore_mem>>
          %dma_start3A_150 = arith.constant 0 : i32
          %dma_start3A_151 = tpu.memref_slice %arg7[%scan3A_100, %dma_start3A_150] : memref<125x80xi32, #tpu.memory_space<vmem>> -> memref<1x80xi32, #tpu.memory_space<vmem>>
          %dma_start3A_152 = tpu.memref_squeeze %dma_start3A_151 : memref<1x80xi32, #tpu.memory_space<vmem>> -> memref<80xi32, #tpu.memory_space<vmem>>
          %dma_start3A_153 = arith.constant 0 : i32
          %dma_start3A_154 = arith.constant 0 : i32
          %dma_start3A_155 = tpu.memref_slice %arg10[%dma_start3A_153, %dma_start3A_154] : memref<10000x128xf32, #tpu.memory_space<vmem_shared>> -> memref<10000x128xf32, #tpu.memory_space<vmem_shared>>
          tpu.enqueue_indirect_dma source(%arg8 : memref<80x128xf32, #tpu.memory_space<vmem>>) target(%dma_start3A_155 : memref<10000x128xf32, #tpu.memory_space<vmem_shared>>) offsets(%dma_start3A_152 : memref<80xi32, #tpu.memory_space<vmem>>) semaphore(%run_scoped3A : memref<!tpu.dma_semaphore, #tpu.memory_space<semaphore_mem>>) {add = true}
          %dma_wait3A_156 = arith.constant 0 : i32
          %dma_wait3A_157 = tpu.memref_slice %arg7[%scan3A_100, %dma_wait3A_156] : memref<125x80xi32, #tpu.memory_space<vmem>> -> memref<1x80xi32, #tpu.memory_space<vmem>>
          %dma_wait3A_158 = tpu.memref_squeeze %dma_wait3A_157 : memref<1x80xi32, #tpu.memory_space<vmem>> -> memref<80xi32, #tpu.memory_space<vmem>>
          %dma_wait3A_159 = arith.constant 0 : i32
          %dma_wait3A_160 = arith.constant 0 : i32
          %dma_wait3A_161 = tpu.memref_slice %arg10[%dma_wait3A_159, %dma_wait3A_160] : memref<10000x128xf32, #tpu.memory_space<vmem_shared>> -> memref<10000x128xf32, #tpu.memory_space<vmem_shared>>
          tpu.wait_indirect_dma semaphore(%run_scoped3A : memref<!tpu.dma_semaphore, #tpu.memory_space<semaphore_mem>>) src(%arg8 : memref<80x128xf32, #tpu.memory_space<vmem>>) dst(%dma_wait3A_161 : memref<10000x128xf32, #tpu.memory_space<vmem_shared>>)
          tpu.yield
        }) : () -> ()
      } else {
      }
      %jit3A_116 = arith.constant 2 : i32
      %eq3A_117 = arith.constant 0 : i32
      %eq3A_118 = arith.cmpi eq, %jit3A_116, %eq3A_117 : i32
      %jit3A_119 = arith.constant 1 : i32
      %select_n3A_120 = arith.select %eq3A_118, %jit3A_119, %jit3A_116 : i32
      %rem3A_121 = arith.remsi %scan3A_100, %select_n3A_120 : i32
      %ne3A_122 = arith.constant 0 : i32
      %ne3A_123 = arith.cmpi ne, %rem3A_121, %ne3A_122 : i32
      %lt3A_124 = arith.constant 0 : i32
      %lt3A_125 = arith.cmpi slt, %rem3A_121, %lt3A_124 : i32
      %lt3A_126 = arith.constant 0 : i32
      %lt3A_127 = arith.cmpi slt, %select_n3A_120, %lt3A_126 : i32
      %ne3A_128 = arith.xori %lt3A_125, %lt3A_127 : i1
      %and3A_129 = arith.andi %ne3A_128, %ne3A_123 : i1
      %add3A_130 = arith.addi %rem3A_121, %select_n3A_120 : i32
      %select_n3A_131 = arith.select %and3A_129, %add3A_130, %rem3A_121 : i32
      %eq3A_132 = arith.constant 1 : i32
      %eq3A_133 = arith.cmpi eq, %select_n3A_131, %eq3A_132 : i32
      %convert_element_type3A_134 = arith.extui %eq3A_133 : i1 to i32
      %cond3A_135 = arith.constant 0 : i32
      %cond3A_136 = arith.cmpi ne, %convert_element_type3A_134, %cond3A_135 : i32
      scf.if %cond3A_136 {
        %mul3A_137 = arith.constant 80 : i32
        %mul3A_138 = arith.muli %scan3A_100, %mul3A_137 : i32
        %dma_wait3A_139 = tpu.memref_slice %arg6[%mul3A_138] : memref<10000xi32, #tpu.memory_space<vmem>> -> memref<80xi32, #tpu.memory_space<vmem>>
        %dma_wait3A_140 = arith.constant 0 : i32
        %dma_wait3A_141 = arith.constant 0 : i32
        %dma_wait3A_142 = tpu.memref_slice %arg4[%dma_wait3A_140, %dma_wait3A_141] : memref<10000x128xf32, #tpu.memory_space<hbm>> -> memref<10000x128xf32, #tpu.memory_space<hbm>>
        tpu.wait_indirect_dma semaphore(%arg12 : memref<!tpu.dma_semaphore, #tpu.memory_space<semaphore_mem>>) src(%dma_wait3A_142 : memref<10000x128xf32, #tpu.memory_space<hbm>>) dst(%arg9 : memref<80x128xf32, #tpu.memory_space<vmem>>)
        %add3A_143 = arith.constant 1 : i32
        %add3A_144 = arith.addi %scan3A_100, %add3A_143 : i32
        %lt3A_145 = arith.constant 125 : i32
        %lt3A_146 = arith.cmpi slt, %add3A_144, %lt3A_145 : i32
        %convert_element_type3A_147 = arith.extui %lt3A_146 : i1 to i32
        %cond3A_148 = arith.constant 0 : i32
        %cond3A_149 = arith.cmpi ne, %convert_element_type3A_147, %cond3A_148 : i32
        scf.if %cond3A_149 {
          %add3A_150 = arith.constant 1 : i32
          %add3A_151 = arith.addi %scan3A_100, %add3A_150 : i32
          %mul3A_152 = arith.constant 80 : i32
          %mul3A_153 = arith.muli %add3A_151, %mul3A_152 : i32
          %dma_start3A_154 = tpu.memref_slice %arg6[%mul3A_153] : memref<10000xi32, #tpu.memory_space<vmem>> -> memref<80xi32, #tpu.memory_space<vmem>>
          %dma_start3A_155 = arith.constant 0 : i32
          %dma_start3A_156 = arith.constant 0 : i32
          %dma_start3A_157 = tpu.memref_slice %arg4[%dma_start3A_155, %dma_start3A_156] : memref<10000x128xf32, #tpu.memory_space<hbm>> -> memref<10000x128xf32, #tpu.memory_space<hbm>>
          tpu.enqueue_indirect_dma source(%dma_start3A_157 : memref<10000x128xf32, #tpu.memory_space<hbm>>) target(%arg8 : memref<80x128xf32, #tpu.memory_space<vmem>>) offsets(%dma_start3A_154 : memref<80xi32, #tpu.memory_space<vmem>>) semaphore(%arg11 : memref<!tpu.dma_semaphore, #tpu.memory_space<semaphore_mem>>)
        } else {
        }
        "tpu.region"() ({
          %run_scoped3A = tpu.sem_alloc : memref<!tpu.dma_semaphore, #tpu.memory_space<semaphore_mem>>
          %dma_start3A_150 = arith.constant 0 : i32
          %dma_start3A_151 = tpu.memref_slice %arg7[%scan3A_100, %dma_start3A_150] : memref<125x80xi32, #tpu.memory_space<vmem>> -> memref<1x80xi32, #tpu.memory_space<vmem>>
          %dma_start3A_152 = tpu.memref_squeeze %dma_start3A_151 : memref<1x80xi32, #tpu.memory_space<vmem>> -> memref<80xi32, #tpu.memory_space<vmem>>
          %dma_start3A_153 = arith.constant 0 : i32
          %dma_start3A_154 = arith.constant 0 : i32
          %dma_start3A_155 = tpu.memref_slice %arg10[%dma_start3A_153, %dma_start3A_154] : memref<10000x128xf32, #tpu.memory_space<vmem_shared>> -> memref<10000x128xf32, #tpu.memory_space<vmem_shared>>
          tpu.enqueue_indirect_dma source(%arg9 : memref<80x128xf32, #tpu.memory_space<vmem>>) target(%dma_start3A_155 : memref<10000x128xf32, #tpu.memory_space<vmem_shared>>) offsets(%dma_start3A_152 : memref<80xi32, #tpu.memory_space<vmem>>) semaphore(%run_scoped3A : memref<!tpu.dma_semaphore, #tpu.memory_space<semaphore_mem>>) {add = true}
          %dma_wait3A_156 = arith.constant 0 : i32
          %dma_wait3A_157 = tpu.memref_slice %arg7[%scan3A_100, %dma_wait3A_156] : memref<125x80xi32, #tpu.memory_space<vmem>> -> memref<1x80xi32, #tpu.memory_space<vmem>>
          %dma_wait3A_158 = tpu.memref_squeeze %dma_wait3A_157 : memref<1x80xi32, #tpu.memory_space<vmem>> -> memref<80xi32, #tpu.memory_space<vmem>>
          %dma_wait3A_159 = arith.constant 0 : i32
          %dma_wait3A_160 = arith.constant 0 : i32
          %dma_wait3A_161 = tpu.memref_slice %arg10[%dma_wait3A_159, %dma_wait3A_160] : memref<10000x128xf32, #tpu.memory_space<vmem_shared>> -> memref<10000x128xf32, #tpu.memory_space<vmem_shared>>
          tpu.wait_indirect_dma semaphore(%run_scoped3A : memref<!tpu.dma_semaphore, #tpu.memory_space<semaphore_mem>>) src(%arg9 : memref<80x128xf32, #tpu.memory_space<vmem>>) dst(%dma_wait3A_161 : memref<10000x128xf32, #tpu.memory_space<vmem_shared>>)
          tpu.yield
        }) : () -> ()
      } else {
      }
    }
    %scan3A_86 = arith.constant 125 : i32
    %barrier3A_87 = arith.constant 0 : index
    tpu.barrier barrier_id(%barrier3A_87)
    %mul3A_88 = arith.constant 624 : i32
    %mul3A_89 = arith.muli %arg1, %mul3A_88 : i32
    %mul3A_90 = arith.constant 10000 : i32
    %mul3A_91 = arith.muli %arg0, %mul3A_90 : i32
    %mul3A_92 = arith.constant 624 : i32
    %mul3A_93 = arith.muli %arg1, %mul3A_92 : i32
    %add3A_94 = arith.addi %mul3A_91, %mul3A_93 : i32
    "tpu.region"() ({
      %run_scoped3A = tpu.sem_alloc : memref<!tpu.dma_semaphore, #tpu.memory_space<semaphore_mem>>
      %dma_start3A_100 = arith.constant 0 : i32
      %dma_start3A_101 = tpu.memref_slice %arg5[%add3A_94, %dma_start3A_100] : memref<20000x128xf32, #tpu.memory_space<hbm>> -> memref<624x128xf32, #tpu.memory_space<hbm>>
      %dma_start3A_102 = arith.constant 0 : i32
      %dma_start3A_103 = tpu.memref_slice %arg10[%mul3A_89, %dma_start3A_102] : memref<10000x128xf32, #tpu.memory_space<vmem_shared>> -> memref<624x128xf32, #tpu.memory_space<vmem_shared>>
      tpu.enqueue_dma source(%dma_start3A_103 : memref<624x128xf32, #tpu.memory_space<vmem_shared>>) target(%dma_start3A_101 : memref<624x128xf32, #tpu.memory_space<hbm>>) target_semaphore(%run_scoped3A : memref<!tpu.dma_semaphore, #tpu.memory_space<semaphore_mem>>)
      %dma_wait3A_104 = arith.constant 0 : i32
      %dma_wait3A_105 = tpu.memref_slice %arg5[%add3A_94, %dma_wait3A_104] : memref<20000x128xf32, #tpu.memory_space<hbm>> -> memref<624x128xf32, #tpu.memory_space<hbm>>
      %dma_wait3A_106 = arith.constant 0 : i32
      %dma_wait3A_107 = tpu.memref_slice %arg10[%mul3A_89, %dma_wait3A_106] : memref<10000x128xf32, #tpu.memory_space<vmem_shared>> -> memref<624x128xf32, #tpu.memory_space<vmem_shared>>
      tpu.wait_dma2 semaphore(%run_scoped3A : memref<!tpu.dma_semaphore, #tpu.memory_space<semaphore_mem>>) src(%dma_wait3A_107 : memref<624x128xf32, #tpu.memory_space<vmem_shared>>) dst(%dma_wait3A_105 : memref<624x128xf32, #tpu.memory_space<hbm>>)
      tpu.yield
    }) : () -> ()
    %eq3A_95 = arith.constant 15 : i32
    %eq3A_96 = arith.cmpi eq, %arg1, %eq3A_95 : i32
    %convert_element_type3A_97 = arith.extui %eq3A_96 : i1 to i32
    %cond3A_98 = arith.constant 0 : i32
    %cond3A_99 = arith.cmpi ne, %convert_element_type3A_97, %cond3A_98 : i32
    scf.if %cond3A_99 {
      %mul3A_100 = arith.constant 10000 : i32
      %mul3A_101 = arith.muli %arg0, %mul3A_100 : i32
      %add3A_102 = arith.constant 9984 : i32
      %add3A_103 = arith.addi %mul3A_101, %add3A_102 : i32
      "tpu.region"() ({
        %run_scoped3A = tpu.sem_alloc : memref<!tpu.dma_semaphore, #tpu.memory_space<semaphore_mem>>
        %dma_start3A_104 = arith.constant 0 : i32
        %dma_start3A_105 = tpu.memref_slice %arg5[%add3A_103, %dma_start3A_104] : memref<20000x128xf32, #tpu.memory_space<hbm>> -> memref<16x128xf32, #tpu.memory_space<hbm>>
        %dma_start3A_106 = arith.constant 9984 : i32
        %dma_start3A_107 = arith.constant 0 : i32
        %dma_start3A_108 = tpu.memref_slice %arg10[%dma_start3A_106, %dma_start3A_107] : memref<10000x128xf32, #tpu.memory_space<vmem_shared>> -> memref<16x128xf32, #tpu.memory_space<vmem_shared>>
        tpu.enqueue_dma source(%dma_start3A_108 : memref<16x128xf32, #tpu.memory_space<vmem_shared>>) target(%dma_start3A_105 : memref<16x128xf32, #tpu.memory_space<hbm>>) target_semaphore(%run_scoped3A : memref<!tpu.dma_semaphore, #tpu.memory_space<semaphore_mem>>)
        %dma_wait3A_109 = arith.constant 0 : i32
        %dma_wait3A_110 = tpu.memref_slice %arg5[%add3A_103, %dma_wait3A_109] : memref<20000x128xf32, #tpu.memory_space<hbm>> -> memref<16x128xf32, #tpu.memory_space<hbm>>
        %dma_wait3A_111 = arith.constant 9984 : i32
        %dma_wait3A_112 = arith.constant 0 : i32
        %dma_wait3A_113 = tpu.memref_slice %arg10[%dma_wait3A_111, %dma_wait3A_112] : memref<10000x128xf32, #tpu.memory_space<vmem_shared>> -> memref<16x128xf32, #tpu.memory_space<vmem_shared>>
        tpu.wait_dma2 semaphore(%run_scoped3A : memref<!tpu.dma_semaphore, #tpu.memory_space<semaphore_mem>>) src(%dma_wait3A_113 : memref<16x128xf32, #tpu.memory_space<vmem_shared>>) dst(%dma_wait3A_110 : memref<16x128xf32, #tpu.memory_space<hbm>>)
        tpu.yield
      }) : () -> ()
    } else {
    }
    return
  }
}

module attributes {stable_mosaic.version = 14 : i64} {
  func.func @_tc_body(%arg0: i32, %arg1: memref<400x128xf32, #tpu.memory_space<vmem>>, %arg2: memref<400x128xf32, #tpu.memory_space<vmem>>, %arg3: memref<400x128xf32, #tpu.memory_space<vmem>>, %arg4: memref<1x1x400xi32, #tpu.memory_space<vmem>>, %arg5: memref<128x256xf32, #tpu.memory_space<vmem>>, %arg6: memref<1x256xf32, #tpu.memory_space<vmem>>, %arg7: memref<256x256xf32, #tpu.memory_space<vmem>>, %arg8: memref<1x256xf32, #tpu.memory_space<vmem>>, %arg9: memref<1x256xf32, #tpu.memory_space<vmem>>, %arg10: memref<1x256xf32, #tpu.memory_space<vmem>>, %arg11: memref<256x256xf32, #tpu.memory_space<vmem>>, %arg12: memref<1x256xf32, #tpu.memory_space<vmem>>, %arg13: memref<256x128xf32, #tpu.memory_space<vmem>>, %arg14: memref<1x128xf32, #tpu.memory_space<vmem>>, %arg15: memref<128x128xf32, #tpu.memory_space<vmem>>, %arg16: memref<128x256xf32, #tpu.memory_space<vmem>>) attributes {dimension_semantics = [#tpu.dimension_semantics<arbitrary>], iteration_bounds = array<i64: 25>, scalar_prefetch = 0 : i64, scratch_operands = 1 : i64, tpu.core_type = #tpu.core_type<tc>, window_params = [{transform_indices = @transform_0, window_bounds = array<i64: 400, 128>}, {transform_indices = @transform_1, window_bounds = array<i64: 400, 128>}, {transform_indices = @transform_2, window_bounds = array<i64: 400, 128>}, {transform_indices = @transform_3, window_bounds = array<i64: 1, 1, 400>}, {pipeline_mode = #tpu.pipeline_mode<synchronous>, transform_indices = @transform_4, window_bounds = array<i64: 128, 256>}, {pipeline_mode = #tpu.pipeline_mode<synchronous>, transform_indices = @transform_5, window_bounds = array<i64: 1, 256>}, {pipeline_mode = #tpu.pipeline_mode<synchronous>, transform_indices = @transform_6, window_bounds = array<i64: 256, 256>}, {pipeline_mode = #tpu.pipeline_mode<synchronous>, transform_indices = @transform_7, window_bounds = array<i64: 1, 256>}, {pipeline_mode = #tpu.pipeline_mode<synchronous>, transform_indices = @transform_8, window_bounds = array<i64: 1, 256>}, {pipeline_mode = #tpu.pipeline_mode<synchronous>, transform_indices = @transform_9, window_bounds = array<i64: 1, 256>}, {pipeline_mode = #tpu.pipeline_mode<synchronous>, transform_indices = @transform_10, window_bounds = array<i64: 256, 256>}, {pipeline_mode = #tpu.pipeline_mode<synchronous>, transform_indices = @transform_11, window_bounds = array<i64: 1, 256>}, {pipeline_mode = #tpu.pipeline_mode<synchronous>, transform_indices = @transform_12, window_bounds = array<i64: 256, 128>}, {pipeline_mode = #tpu.pipeline_mode<synchronous>, transform_indices = @transform_13, window_bounds = array<i64: 1, 128>}, {pipeline_mode = #tpu.pipeline_mode<synchronous>, transform_indices = @transform_14, window_bounds = array<i64: 128, 128>}]} {
    %get3A = arith.constant 0 : index
    %get3A_0 = arith.constant 0 : index
    %get3A_1 = vector.load %arg1[%get3A, %get3A_0] : memref<400x128xf32, #tpu.memory_space<vmem>>, vector<400x128xf32>
    %get3A_2 = arith.constant 0 : index
    %get3A_3 = arith.constant 0 : index
    %get3A_4 = vector.load %arg2[%get3A_2, %get3A_3] : memref<400x128xf32, #tpu.memory_space<vmem>>, vector<400x128xf32>
    %add3A = arith.addf %get3A_1, %get3A_4 : vector<400x128xf32>
    %get3A_5 = arith.constant 0 : index
    %get3A_6 = arith.constant 0 : index
    %get3A_7 = vector.load %arg3[%get3A_5, %get3A_6] : memref<400x128xf32, #tpu.memory_space<vmem>>, vector<400x128xf32>
    %add3A_8 = arith.addf %add3A, %get3A_7 : vector<400x128xf32>
    %get3A_9 = arith.constant 0 : index
    %get3A_10 = arith.constant 0 : index
    %get3A_11 = vector.load %arg5[%get3A_9, %get3A_10] : memref<128x256xf32, #tpu.memory_space<vmem>>, vector<128x256xf32>
    %dot_general3A = arith.constant dense<0.000000e+00> : vector<400x256xf32>
    %dot_general3A_12 = tpu.matmul %add3A_8, %get3A_11, %dot_general3A {dimension_numbers = #tpu.dot_dimension_numbers<[1], [0], [0], [1], [0, 0, 1, 1], [], []>, transpose_lhs_hint = false} : vector<400x128xf32>, vector<128x256xf32>, vector<400x256xf32> -> vector<400x256xf32>
    %get3A_13 = arith.constant 0 : index
    %get3A_14 = arith.constant 0 : index
    %get3A_15 = vector.load %arg6[%get3A_13, %get3A_14] : memref<1x256xf32, #tpu.memory_space<vmem>>, vector<1x256xf32>
    %add3A_16 = vector.broadcast %get3A_15 : vector<1x256xf32> to vector<400x256xf32>
    %add3A_17 = arith.addf %dot_general3A_12, %add3A_16 : vector<400x256xf32>
    %max3A = arith.constant 0.000000e+00 : f32
    %max3A_18 = vector.broadcast %max3A : f32 to vector<400x256xf32>
    %max3A_19 = arith.maximumf %add3A_17, %max3A_18 : vector<400x256xf32>
    %get3A_20 = arith.constant 0 : index
    %get3A_21 = arith.constant 0 : index
    %get3A_22 = vector.load %arg7[%get3A_20, %get3A_21] : memref<256x256xf32, #tpu.memory_space<vmem>>, vector<256x256xf32>
    %dot_general3A_23 = arith.constant dense<0.000000e+00> : vector<400x256xf32>
    %dot_general3A_24 = tpu.matmul %max3A_19, %get3A_22, %dot_general3A_23 {dimension_numbers = #tpu.dot_dimension_numbers<[1], [0], [0], [1], [0, 0, 1, 1], [], []>, transpose_lhs_hint = false} : vector<400x256xf32>, vector<256x256xf32>, vector<400x256xf32> -> vector<400x256xf32>
    %get3A_25 = arith.constant 0 : index
    %get3A_26 = arith.constant 0 : index
    %get3A_27 = vector.load %arg8[%get3A_25, %get3A_26] : memref<1x256xf32, #tpu.memory_space<vmem>>, vector<1x256xf32>
    %add3A_28 = vector.broadcast %get3A_27 : vector<1x256xf32> to vector<400x256xf32>
    %add3A_29 = arith.addf %dot_general3A_24, %add3A_28 : vector<400x256xf32>
    %max3A_30 = arith.constant 0.000000e+00 : f32
    %max3A_31 = vector.broadcast %max3A_30 : f32 to vector<400x256xf32>
    %max3A_32 = arith.maximumf %add3A_29, %max3A_31 : vector<400x256xf32>
    %get3A_33 = arith.constant 0 : index
    %get3A_34 = arith.constant 0 : index
    %get3A_35 = vector.load %arg9[%get3A_33, %get3A_34] : memref<1x256xf32, #tpu.memory_space<vmem>>, vector<1x256xf32>
    %mul3A = vector.broadcast %get3A_35 : vector<1x256xf32> to vector<400x256xf32>
    %mul3A_36 = arith.mulf %max3A_32, %mul3A : vector<400x256xf32>
    %get3A_37 = arith.constant 0 : index
    %get3A_38 = arith.constant 0 : index
    %get3A_39 = vector.load %arg10[%get3A_37, %get3A_38] : memref<1x256xf32, #tpu.memory_space<vmem>>, vector<1x256xf32>
    %add3A_40 = vector.broadcast %get3A_39 : vector<1x256xf32> to vector<400x256xf32>
    %add3A_41 = arith.addf %mul3A_36, %add3A_40 : vector<400x256xf32>
    %get3A_42 = arith.constant 0 : index
    %get3A_43 = arith.constant 0 : index
    %get3A_44 = arith.constant 0 : index
    %get3A_45 = vector.load %arg4[%get3A_42, %get3A_43, %get3A_44] : memref<1x1x400xi32, #tpu.memory_space<vmem>>, vector<1x1x400xi32>
    %get3A_46 = vector.shape_cast %get3A_45 : vector<1x1x400xi32> to vector<1x400xi32>
    %broadcast_in_dim3A = vector.shape_cast %get3A_46 : vector<1x400xi32> to vector<1x400xi32>
    %broadcast_in_dim3A_47 = vector.broadcast %broadcast_in_dim3A : vector<1x400xi32> to vector<128x400xi32>
    %iota3A = tpu.iota {dimensions = array<i32: 0>} : vector<128x400xi32>
    %eq3A = arith.cmpi eq, %broadcast_in_dim3A_47, %iota3A : vector<128x400xi32>
    %convert_element_type3A = arith.extui %eq3A : vector<128x400xi1> to vector<128x400xi32>
    %convert_element_type3A_48 = arith.sitofp %convert_element_type3A : vector<128x400xi32> to vector<128x400xf32>
    %dot_general3A_49 = arith.constant dense<0.000000e+00> : vector<128x256xf32>
    %dot_general3A_50 = tpu.matmul %convert_element_type3A_48, %add3A_41, %dot_general3A_49 {dimension_numbers = #tpu.dot_dimension_numbers<[1], [0], [0], [1], [0, 0, 1, 1], [], []>, precision = #tpu.contract_precision<fp32>, transpose_lhs_hint = false} : vector<128x400xf32>, vector<400x256xf32>, vector<128x256xf32> -> vector<128x256xf32>
    %eq3A_51 = arith.constant 0 : i32
    %eq3A_52 = arith.cmpi eq, %arg0, %eq3A_51 : i32
    %convert_element_type3A_53 = arith.extui %eq3A_52 : i1 to i32
    %cond3A = arith.constant 0 : i32
    %cond3A_54 = arith.cmpi ne, %convert_element_type3A_53, %cond3A : i32
    scf.if %cond3A_54 {
      %broadcast_in_dim3A_66 = arith.constant 0.000000e+00 : f32
      %broadcast_in_dim3A_67 = vector.broadcast %broadcast_in_dim3A_66 : f32 to vector<128x256xf32>
      %swap3A_68 = arith.constant 0 : index
      %swap3A_69 = arith.constant 0 : index
      %swap3A_70 = vector.load %arg16[%swap3A_68, %swap3A_69] : memref<128x256xf32, #tpu.memory_space<vmem>>, vector<128x256xf32>
      tpu.vector_store %arg16[%swap3A_68, %swap3A_69], %broadcast_in_dim3A_67 {strides = array<i32>} : memref<128x256xf32, #tpu.memory_space<vmem>>, vector<128x256xf32>,
    } else {
    }
    %get3A_55 = arith.constant 0 : index
    %get3A_56 = arith.constant 0 : index
    %get3A_57 = vector.load %arg16[%get3A_55, %get3A_56] : memref<128x256xf32, #tpu.memory_space<vmem>>, vector<128x256xf32>
    %add3A_58 = arith.addf %get3A_57, %dot_general3A_50 : vector<128x256xf32>
    %swap3A = arith.constant 0 : index
    %swap3A_59 = arith.constant 0 : index
    %swap3A_60 = vector.load %arg16[%swap3A, %swap3A_59] : memref<128x256xf32, #tpu.memory_space<vmem>>, vector<128x256xf32>
    tpu.vector_store %arg16[%swap3A, %swap3A_59], %add3A_58 {strides = array<i32>} : memref<128x256xf32, #tpu.memory_space<vmem>>, vector<128x256xf32>,
    %eq3A_61 = arith.constant 24 : i32
    %eq3A_62 = arith.cmpi eq, %arg0, %eq3A_61 : i32
    %convert_element_type3A_63 = arith.extui %eq3A_62 : i1 to i32
    %cond3A_64 = arith.constant 0 : i32
    %cond3A_65 = arith.cmpi ne, %convert_element_type3A_63, %cond3A_64 : i32
    scf.if %cond3A_65 {
      %get3A_66 = arith.constant 0 : index
      %get3A_67 = arith.constant 0 : index
      %get3A_68 = vector.load %arg16[%get3A_66, %get3A_67] : memref<128x256xf32, #tpu.memory_space<vmem>>, vector<128x256xf32>
      %get3A_69 = arith.constant 0 : index
      %get3A_70 = arith.constant 0 : index
      %get3A_71 = vector.load %arg11[%get3A_69, %get3A_70] : memref<256x256xf32, #tpu.memory_space<vmem>>, vector<256x256xf32>
      %dot_general3A_72 = arith.constant dense<0.000000e+00> : vector<128x256xf32>
      %dot_general3A_73 = tpu.matmul %get3A_68, %get3A_71, %dot_general3A_72 {dimension_numbers = #tpu.dot_dimension_numbers<[1], [0], [0], [1], [0, 0, 1, 1], [], []>, transpose_lhs_hint = false} : vector<128x256xf32>, vector<256x256xf32>, vector<128x256xf32> -> vector<128x256xf32>
      %get3A_74 = arith.constant 0 : index
      %get3A_75 = arith.constant 0 : index
      %get3A_76 = vector.load %arg12[%get3A_74, %get3A_75] : memref<1x256xf32, #tpu.memory_space<vmem>>, vector<1x256xf32>
      %add3A_77 = vector.broadcast %get3A_76 : vector<1x256xf32> to vector<128x256xf32>
      %add3A_78 = arith.addf %dot_general3A_73, %add3A_77 : vector<128x256xf32>
      %max3A_79 = arith.constant 0.000000e+00 : f32
      %max3A_80 = vector.broadcast %max3A_79 : f32 to vector<128x256xf32>
      %max3A_81 = arith.maximumf %add3A_78, %max3A_80 : vector<128x256xf32>
      %get3A_82 = arith.constant 0 : index
      %get3A_83 = arith.constant 0 : index
      %get3A_84 = vector.load %arg13[%get3A_82, %get3A_83] : memref<256x128xf32, #tpu.memory_space<vmem>>, vector<256x128xf32>
      %dot_general3A_85 = arith.constant dense<0.000000e+00> : vector<128x128xf32>
      %dot_general3A_86 = tpu.matmul %max3A_81, %get3A_84, %dot_general3A_85 {dimension_numbers = #tpu.dot_dimension_numbers<[1], [0], [0], [1], [0, 0, 1, 1], [], []>, transpose_lhs_hint = false} : vector<128x256xf32>, vector<256x128xf32>, vector<128x128xf32> -> vector<128x128xf32>
      %get3A_87 = arith.constant 0 : index
      %get3A_88 = arith.constant 0 : index
      %get3A_89 = vector.load %arg14[%get3A_87, %get3A_88] : memref<1x128xf32, #tpu.memory_space<vmem>>, vector<1x128xf32>
      %add3A_90 = vector.broadcast %get3A_89 : vector<1x128xf32> to vector<128x128xf32>
      %add3A_91 = arith.addf %dot_general3A_86, %add3A_90 : vector<128x128xf32>
      %swap3A_92 = arith.constant 0 : index
      %swap3A_93 = arith.constant 0 : index
      %swap3A_94 = vector.load %arg15[%swap3A_92, %swap3A_93] : memref<128x128xf32, #tpu.memory_space<vmem>>, vector<128x128xf32>
      tpu.vector_store %arg15[%swap3A_92, %swap3A_93], %add3A_91 {strides = array<i32>} : memref<128x128xf32, #tpu.memory_space<vmem>>, vector<128x128xf32>,
    } else {
    }
    return
  }
  func.func @transform_0(%arg0: i32) -> (i32, i32) {
    %c0_i32 = arith.constant 0 : i32
    %c0_i32_0 = arith.constant 0 : i32
    return %arg0, %c0_i32 : i32, i32
  }
  func.func @transform_1(%arg0: i32) -> (i32, i32) {
    %c0_i32 = arith.constant 0 : i32
    %c0_i32_0 = arith.constant 0 : i32
    return %arg0, %c0_i32 : i32, i32
  }
  func.func @transform_2(%arg0: i32) -> (i32, i32) {
    %add3A = arith.constant 25 : i32
    %add3A_0 = arith.addi %arg0, %add3A : i32
    %c0_i32 = arith.constant 0 : i32
    %c0_i32_1 = arith.constant 0 : i32
    return %add3A_0, %c0_i32 : i32, i32
  }
  func.func @transform_3(%arg0: i32) -> (i32, i32, i32) {
    %c0_i32 = arith.constant 0 : i32
    %c0_i32_0 = arith.constant 0 : i32
    %c0_i32_1 = arith.constant 0 : i32
    return %arg0, %c0_i32, %c0_i32_0 : i32, i32, i32
  }
  func.func @transform_4(%arg0: i32) -> (i32, i32) {
    %c0_i32 = arith.constant 0 : i32
    %c0_i32_0 = arith.constant 0 : i32
    %c0_i32_1 = arith.constant 0 : i32
    return %c0_i32, %c0_i32_0 : i32, i32
  }
  func.func @transform_5(%arg0: i32) -> (i32, i32) {
    %c0_i32 = arith.constant 0 : i32
    %c0_i32_0 = arith.constant 0 : i32
    %c0_i32_1 = arith.constant 0 : i32
    return %c0_i32, %c0_i32_0 : i32, i32
  }
  func.func @transform_6(%arg0: i32) -> (i32, i32) {
    %c0_i32 = arith.constant 0 : i32
    %c0_i32_0 = arith.constant 0 : i32
    %c0_i32_1 = arith.constant 0 : i32
    return %c0_i32, %c0_i32_0 : i32, i32
  }
  func.func @transform_7(%arg0: i32) -> (i32, i32) {
    %c0_i32 = arith.constant 0 : i32
    %c0_i32_0 = arith.constant 0 : i32
    %c0_i32_1 = arith.constant 0 : i32
    return %c0_i32, %c0_i32_0 : i32, i32
  }
  func.func @transform_8(%arg0: i32) -> (i32, i32) {
    %c0_i32 = arith.constant 0 : i32
    %c0_i32_0 = arith.constant 0 : i32
    %c0_i32_1 = arith.constant 0 : i32
    return %c0_i32, %c0_i32_0 : i32, i32
  }
  func.func @transform_9(%arg0: i32) -> (i32, i32) {
    %c0_i32 = arith.constant 0 : i32
    %c0_i32_0 = arith.constant 0 : i32
    %c0_i32_1 = arith.constant 0 : i32
    return %c0_i32, %c0_i32_0 : i32, i32
  }
  func.func @transform_10(%arg0: i32) -> (i32, i32) {
    %c0_i32 = arith.constant 0 : i32
    %c0_i32_0 = arith.constant 0 : i32
    %c0_i32_1 = arith.constant 0 : i32
    return %c0_i32, %c0_i32_0 : i32, i32
  }
  func.func @transform_11(%arg0: i32) -> (i32, i32) {
    %c0_i32 = arith.constant 0 : i32
    %c0_i32_0 = arith.constant 0 : i32
    %c0_i32_1 = arith.constant 0 : i32
    return %c0_i32, %c0_i32_0 : i32, i32
  }
  func.func @transform_12(%arg0: i32) -> (i32, i32) {
    %c0_i32 = arith.constant 0 : i32
    %c0_i32_0 = arith.constant 0 : i32
    %c0_i32_1 = arith.constant 0 : i32
    return %c0_i32, %c0_i32_0 : i32, i32
  }
  func.func @transform_13(%arg0: i32) -> (i32, i32) {
    %c0_i32 = arith.constant 0 : i32
    %c0_i32_0 = arith.constant 0 : i32
    %c0_i32_1 = arith.constant 0 : i32
    return %c0_i32, %c0_i32_0 : i32, i32
  }
  func.func @transform_14(%arg0: i32) -> (i32, i32) {
    %c0_i32 = arith.constant 0 : i32
    %c0_i32_0 = arith.constant 0 : i32
    %c0_i32_1 = arith.constant 0 : i32
    return %c0_i32, %c0_i32_0 : i32, i32
  }
}

</mosaic_0001>

<sc_bundles>
// kernel: kernel.4.cloned.1.call-start
scs
__scs_entry_jumppad:
0x0: {  	(pc) =	sbr.rel $0x88, $3  }
0x1: {  	(tag) =	ssettag $0x0;
	lr =	simm.s32 $0x1  }
0x2: {  	[smem:$0x3F94] =	sst lr;
	_ =	strace $0xD0000000  }
0x3: {  	_ = 	snop  }
0x4: {  	_ = 	snop  }
0x5: {  	_ = 	snop  }
0x6: {  	_ = 	snop  }
0x7: {  	_ = 	snop  }
__scs_overlays_trampoline_lowered:
0x8: {  	[smem:$0x3FA3] =	sst s0  }
0x9: {  	[smem:$0x3FA4] =	sst s1  }
0xa: {  	[smem:$0x3FA5] =	sst s2  }
0xb: {  	[smem:$0x3FA6] =	sst s3  }
0xc: {  	[smem:$0x3FA7] =	sst s4  }
0xd: {  	[smem:$0x3FA8] =	sst s5  }
0xe: {  	[smem:$0x3FA9] =	sst s6  }
0xf: {  	[smem:$0x3FAA] =	sst s7  }
0x10: {  	[smem:$0x3FAB] =	sst s8  }
0x11: {  	[smem:$0x3FAC] =	sst s9;
	s0 =	simm.s32 @!p0 $0x0  }
0x12: {  	s1 =	sld [smem:$0x3F92];
	s0 =	simm.s32 @p0 $0x1  }
0x13: {  	[smem:$0x3FAD] =	sst s0;
	s0 =	simm.s32 @!p1 $0x0  }
0x14: {  	s2 =	sld [smem:$0x3F91];
	s0 =	simm.s32 @p1 $0x1  }
0x15: {  	[smem:$0x3FAE] =	sst s0;
	s0 =	simm.s32 @!p2 $0x0  }
0x16: {  	s3 =	sld [smem:$0x3FDB];
	s0 =	simm.s32 @p2 $0x1  }
0x17: {  	s4 =	simm.s32 $0x1BF5;
	[smem:$0x3FB0] =	sst s0  }
0x18: {  	s0 =	sld [smem:$0x3F93];
	_ =	swait.ge [sflag:s4], $0x0  }
0x19: {  	s7 =	sld [smem:$0x3F94]  }
0x1a: {  	s8 =	sadd.s32 $0xFFFFE003, lr  }
0x1b: {  	s9 =	sadd.s32 $0xFFFFFEF7, lr;
	s5 =	simm.s32 $0xFFFFFFFF;
	p2 =	slt.u32 s8, $0xFFFFF086  }
0x1c: {  	p1 =	slt.u32 s9, $0xF7A;
	s5 =	simm.s32 @!p2 $0x0  }
0x1d: {  	s5 =	simm.s32 @p1 $0x1;
	p0 =	seq.s32 s7, s2  }
0x1e: {  	s7 =	smul.u32 @!p0 $0xF7A, s2;
	p2 =	seq.s32 @!p0 s5, $0x0  }
0x1f: {  	s9 =	smul.u32 $0xF7A, s1;
	s8 =	simm.s32 @!p0 $0x1BF5;
	p2 =	por !p2, p0  }
0x20: {  	[sflag:s8] =	ssyncset.s32 @!p0 $0xFFFFF086;
	s6 =	sadd.s32 @!p0 s3, s7;
	s7 =	simm.s32 @!p0 $0x108  }
0x21: {  	s3 =	sadd.s32 s3, s9;
	s6 =	sadd.s32 @!p0 $0x88, s6;
	s7 =	simm.s32 @p2 $0x1082  }
0x22: {  	[simem:s7], [sflag:s8] =	dma.local @!p0 [hbm:s6], $0xF7A  }
0x23: {  	s9 =	sor.u32 $0xD0000000, s2;
	s6 =	simm.s32 $0x108;
	_ =	swait.ge @!p0 [sflag:s8], $0x0  }
0x24: {  	s3 =	sadd.s32 $0x88, s3;
	s6 =	simm.s32 @!p1 $0x1082;
	[sflag:s4] =	ssyncset.s32 $0xFFFFF086  }
0x25: {  	[simem:s6], [sflag:s4] =	dma.local [hbm:s3], $0xF7A  }
0x26: {  	[smem:$0x3F94] =	sst s1;
	(tag) =	ssettag s2;
	_ =	strace s9  }
0x27: {  	s1 =	sld [smem:$0x3FA4]  }
0x28: {  	s2 =	sld [smem:$0x3FA5]  }
0x29: {  	s4 =	sld [smem:$0x3FA7]  }
0x2a: {  	p0 =	seq.s32 s5, $0x0;
	s5 =	sld [smem:$0x3FA8]  }
0x2b: {  	s6 =	sld [smem:$0x3FA9]  }
0x2c: {  	s7 =	sld [smem:$0x3FAA]  }
0x2d: {  	s3 =	simm.s32 $0x108;
	s8 =	sld [smem:$0x3FAB]  }
0x2e: {  	s3 =	simm.s32 @!p0 $0x1082;
	s9 =	sld [smem:$0x3FAC]  }
0x2f: {  	lr =	sadd.s32 s0, s3;
	s0 =	sld [smem:$0x3FA3]  }
0x30: {  	s3 =	sld [smem:$0x3FA6]  }
0x31: {  	[smem:$0x3FAF] =	sst s10  }
0x32: {  	s10 =	sld [smem:$0x3FAD];
	_ =	sdelay $0x3  }
0x33: {  	p0 =	seq.s32 s10, $0x1;
	s10 =	sld [smem:$0x3FAF];
	_ =	sdelay $0x3  }
0x34: {  	[smem:$0x3FAF] =	sst s10  }
0x35: {  	s10 =	sld [smem:$0x3FAE];
	_ =	sdelay $0x3  }
0x36: {  	p1 =	seq.s32 s10, $0x1;
	s10 =	sld [smem:$0x3FAF];
	_ =	sdelay $0x3  }
0x37: {  	[smem:$0x3FAF] =	sst s10  }
0x38: {  	s10 =	sld [smem:$0x3FB0]  }
0x39: {  	_ = 	snop;
	(pc) =	sbr.ind lr, $3  }
0x3a: {  	_ = 	snop  }
0x3b: {  	_ = 	snop  }
0x3c: {  	p2 =	seq.s32 s10, $0x1;
	s10 =	sld [smem:$0x3FAF]  }
0x3d: {  	_ =	shalt  }
0x3e: {  	_ =	shalt  }
0x3f: {  	_ =	shalt  }
0x40: {  	_ =	shalt  }
0x41: {  	_ =	shalt  }
0x42: {  	_ =	shalt  }
0x43: {  	_ =	shalt  }
0x44: {  	_ =	shalt  }
0x45: {  	_ =	shalt  }
0x46: {  	_ =	shalt  }
0x47: {  	_ =	shalt  }
0x48: {  	_ =	shalt  }
0x49: {  	_ =	shalt  }
0x4a: {  	_ =	shalt  }
0x4b: {  	_ =	shalt  }
0x4c: {  	_ =	shalt  }
0x4d: {  	_ =	shalt  }
0x4e: {  	_ =	shalt  }
0x4f: {  	_ =	shalt  }
0x50: {  	_ =	shalt  }
0x51: {  	_ =	shalt  }
0x52: {  	_ =	shalt  }
0x53: {  	_ =	shalt  }
0x54: {  	_ =	shalt  }
0x55: {  	_ =	shalt  }
0x56: {  	_ =	shalt  }
0x57: {  	_ =	shalt  }
0x58: {  	_ =	shalt  }
0x59: {  	_ =	shalt  }
0x5a: {  	_ =	shalt  }
0x5b: {  	_ =	shalt  }
0x5c: {  	_ =	shalt  }
0x5d: {  	_ =	shalt  }
0x5e: {  	_ =	shalt  }
0x5f: {  	_ =	shalt  }
0x60: {  	_ =	shalt  }
0x61: {  	_ =	shalt  }
0x62: {  	_ =	shalt  }
0x63: {  	_ =	shalt  }
0x64: {  	_ =	shalt  }
0x65: {  	_ =	shalt  }
0x66: {  	_ =	shalt  }
0x67: {  	_ =	shalt  }
0x68: {  	_ =	shalt  }
0x69: {  	_ =	shalt  }
0x6a: {  	_ =	shalt  }
0x6b: {  	_ =	shalt  }
0x6c: {  	_ =	shalt  }
0x6d: {  	_ =	shalt  }
0x6e: {  	_ =	shalt  }
0x6f: {  	_ =	shalt  }
0x70: {  	_ =	shalt  }
0x71: {  	_ =	shalt  }
0x72: {  	_ =	shalt  }
0x73: {  	_ =	shalt  }
0x74: {  	_ =	shalt  }
0x75: {  	_ =	shalt  }
0x76: {  	_ =	shalt  }
0x77: {  	_ =	shalt  }
0x78: {  	_ =	shalt  }
0x79: {  	_ =	shalt  }
0x7a: {  	_ =	shalt  }
0x7b: {  	_ =	shalt  }
0x7c: {  	_ =	shalt  }
0x7d: {  	_ =	shalt  }
0x7e: {  	_ =	shalt  }
0x7f: {  	_ =	shalt  }
0x80: {  	_ =	shalt  }
0x81: {  	_ =	shalt  }
0x82: {  	_ =	shalt  }
0x83: {  	_ =	shalt  }
0x84: {  	_ =	shalt  }
0x85: {  	_ =	shalt  }
0x86: {  	_ =	shalt  }
0x87: {  	_ =	shalt  }
.Lfunc_end0:
.L_simem_size_0:
called_computation_lowered:
.L_overlay_start_0:
0x88: {  	s2 =	sld [smem:$0x3FD9]  }
0x89: {  	s3 =	sld [smem:$0x3FFE];
	_ =	sdelay $0x1  }
0x8a: {  	s1 =	srdreg.scid  }
0x8b: {  	s0 =	sand.u32 $0x1, s1  }
0x8c: {  	s17 =	sshll.u32 s0, $0xA;
	s2 =	sadd.s32 s3, s2  }
0x8d: {  	s2 =	sadd.s32 s2, s17  }
0x8e: {  	[smem:$0x3FBB] =	sst s2  }
0x8f: {  	_ = 	snop  }
0x90: {  	s2 =	sld [smem:$0x3FC9];
	(tm) =	ssettm $0x1  }
0x91: {  	s18 =	sld [smem:$0x3FFB];
	_ =	sdelay $0x3  }
0x92: {  	_ =	strace s18  }
0x93: {  	s3 =	sld [smem:$0x3FFC];
	_ =	sdelay $0x3  }
0x94: {  	_ =	strace s3  }
0x95: {  	s3 =	sld [smem:$0x3FFD];
	_ =	sdelay $0x3  }
0x96: {  	_ =	strace s3  }
0x97: {  	_ =	strace $0x8FFFFFFF  }
0x98: {  	s19 =	sld [smem:$0x3FDB];
	_ =	sdelay $0x1  }
0x99: {  	s4 =	simm.s32 $_scs_section_size  }
0x9a: {  	s5 =	simm.s32 $_size__tile_overlayer_lowered;
	s6 =	simm.s32 $_tile_overlayer_lowered  }
0x9b: {  	s22 =	simm.s32 $0x1BFF;
	s21 =	sshll.u32 s6, $0x1;
	s3 =	sadd.s32 s4, s19  }
0x9c: {  	s7 =	simm.s32 $0x0;
	s20 =	sshll.u32 s5, $0x1;
	s5 =	sadd.s32 s21, s3  }
0x9d: {  	[timem:s7], [sflag:s22] =	dma.local [hbm:s5], s20  }
0x9e: {  	_ =	swait.ge [sflag:s22], s20  }
0x9f: {  	s4 =	ssub.s32 $0x0, s20;
	[sflag:s22] =	ssyncset.done $0x0  }
0xa0: {  	[sflag:s22] =	ssyncadd.s32 s4;
	_ =	sdelay $0x1  }
0xa1: {  	s23 =	simm.s32 $0x1B8B  }
0xa2: {  	_ =	swait.ge [sflag:s23], $0x1  }
0xa3: {  	[sflag:s23] =	ssyncset.done $0x0  }
0xa4: {  	s25 =	simm.s32 $0x1B8E;
	s24 =	sld [smem:$0x3FFE];
	[sflag:s23] =	ssyncadd.s32 $0xFFFFFFFF  }
0xa5: {  	s26 =	simm.s32 $execute0_lowered;
	[smem:$0x3FD2] =	sst s25  }
0xa6: {  	s5 =	sshll.u32 s26, $0x1;
	_ =	strace $0x80000046;
	[dreg:$0x1] =	wrdreg $0xFFFFFFFF  }
0xa7: {  	s28 =	simm.s32 $_size_execute0_lowered;
	s3 =	sadd.s32 s3, s5;
	[dreg:$0x0] =	wrdreg $0x0  }
0xa8: {  	s5 =	sshll.u32 s28, $0x1;
	[dreg:$0x2] =	wrdreg s3  }
0xa9: {  	[dreg:$0x3] =	wrdreg s5  }
0xaa: {  	[dreg:$0x4] =	wrdreg $0xC0  }
0xab: {  	_ =	task [dreg:s7], $0x5FFFF  }
0xac: {  	[dreg:$0x1] =	wrdreg $0xFFFFFFFF  }
0xad: {  	[dreg:$0x0] =	wrdreg $0x60  }
0xae: {  	[dreg:$0x2] =	wrdreg s24  }
0xaf: {  	[dreg:$0x3] =	wrdreg s2  }
0xb0: {  	[dreg:$0x4] =	wrdreg $0xB7800  }
0xb1: {  	[dreg:$0x5] =	wrdreg $0x9  }
0xb2: {  	_ =	task.clear_ibuf [dreg:s7], $0x6FFFF;
	_ =	strace $0x90000046  }
0xb3: {  	s29 =	simm.s32 $0x9;
	_ =	strace $0x80000048  }
0xb4: {  	_ =	swait.ge [sflag:s29], $0x1  }
0xb5: {  	[sflag:s29] =	ssyncadd.s32 $0xFFFFFFFF  }
0xb6: {  	_ =	strace $0x90000048  }
0xb7: {  	_ =	sfence  }
0xb8: {  	s30 =	sld [smem:$0x0];
	_ =	sdelay $0x2  }
0xb9: {  	s31 =	sshll.u32 s1, $0xD;
	s1 =	sshrl.u32 s1, $0x2  }
0xba: {  	s3 =	sand.u32 $0x4000, s31;
	s1 =	sadd.s32 s1, s30  }
0xbb: {  	s0 =	sor.u32 s3, s0;
	s1 =	sshll.u32 s1, $0x11  }
0xbc: {  	s0 =	sor.u32 s1, s0  }
0xbd: {  	s0 =	sadd.s32 $0x8F2B, s0  }
0xbe: {  	[sflag:s0] =	ssyncadd.remote.s32 $0x1  }
0xbf: {  	_ =	sfence.sel $0xFFFF  }
0xc0: {  	[dreg:$0x0] =	wrdreg $0xFFFFFFFF;
	(pc) =	sbr.abs _section_cstart, $3  }
0xc1: {  	[dreg:$0x1] =	wrdreg $0xFFFFFFFF  }
0xc2: {  	_ =	task.clear_ibuf [dreg:s7], $0x2FFFF;
	_ =	strace $0x9FFFFFFF  }
0xc3: {  	(tm) =	ssettm $0x7FFFFFFF  }
tec
execute0_lowered:
.L_overlay_start_1:
0x0: {  	(tag) =	ssettag $0x1  }
0x1: {  	s0 =	srdreg.scid;
	s1 =	rddreg [dreg:$0x0]  }
0x2: {  	s2 =	rddreg [dreg:$0x1];
	s19 =	stileid.u32  }
0x3: {  	s3 =	rddreg [dreg:$0x2];
	s20 =	simm.s32 $0x6780;
	s21 =	simm.s32 $0x3  }
0x4: {  	s22 =	simm.s32 $0x1;
	s23 =	simm.s32 $0x2;
	s9 =	smul.u32 $0x2700, s19  }
0x5: {  	s28 =	simm.s32 $0x4;
	s0 =	sand.u32 $0x1, s0;
	s10 =	smul.u32 $0x4E000, s19  }
0x6: {  	s29 =	simm.s32 $0x0;
	p0 =	sne.s32 s19, $0xF;
	s11 =	smul.u32 $0x138800, s0  }
0x7: {  	s4 =	sshll.u32 s0, $0x4;
	s7 =	ssub.s32 $0x2, s0;
	s0 =	smul.u32 $0x27100, s0  }
0x8: {  	s5 =	sor.u32 s19, s4;
	s4 =	simm.s32 $0x0;
	s26 =	sshrl.u32 s7, $0x1  }
0x9: {  	s30 =	sshrl.u32 s10, $0x2;
	s6 =	smul.u32 $0x4E2, s5;
	[smem:$0x7FF] =	sst s4  }
0xa: {  	s5 =	sshll.u32 s5, $0xB;
	s12 =	ssub.s32 s7, s26;
	s7 =	sadd.s32 s30, s3  }
0xb: {  	s31 =	sshrl.u32 s11, $0x3;
	s0 =	sadd.s32 s9, s0;
	s9 =	sadd.s32 $0x138000, s3  }
0xc: {  	s26 =	simm.s32 $0x5;
	_ =	strace $0x80000047;
	s8 =	sadd.s32 s5, s1  }
0xd: {  	s12 =	smax.u32 s12, $0x1;
	s13 =	sadd.s32 $0x2800, s7;
	s14 =	sadd.s32 $0x5000, s7  }
0xe: {  	s15 =	sadd.s32 $0x7800, s7;
	s16 =	sadd.s32 $0xA000, s7;
	s17 =	sadd.s32 $0xC800, s7  }
0xf: {  	s18 =	sadd.s32 $0xF000, s7;
	s6 =	sadd.s32 s6, s1;
	s1 =	sadd.s32 $0x1B800, s1  }
0x10: {  	s5 =	sadd.s32 $0x1A00, s6;
	s6 =	sadd.s32 $0xB800, s8;
	s11 =	sadd.s32 s1, s31  }
0x11: {  	v0 =	vimm.f32 $0.0e+00;
	s8 =	sadd.s32 $0x11800, s7;
	s10 =	sadd.s32 s1, s0;
	s11 =	sadd.s32 $0x27000, s11  }
.LBB2_1:
0x12: {  	[tilespmem:s4], [sflag:$0x1] =	stream.linear.gather [hbm4b:s5+s4], $0x2710, $0x38;
	[tilespmem:$0x1F000] =	vst v63  }
0x13: {  	s31 =	sand.u32 $0xFE00, s4  }
0x14: {  	s0 =	simm.s32 $0x2780;
	s1 =	sand.u32 $0x70, s4;
	s19 =	sshrl.u32 s31, $0x2  }
0x15: {  	[tilespmem:s0], [sflag:$0x2] =	stream.linear.gather [hbm4b:s6+s4], $0x3E80, $0x38;
	[tilespmem:$0x1F000] =	vst v63  }
0x16: {  	s0 =	simm.s32 $0x40;
	s19 =	sor.u32 s1, s19;
	s1 =	simm.s32 $0x0  }
.LBB2_2:
0x17: {  	p1 =	sne.s32 s0, $0x9FC0  }
0x18: {  	[tilespmem:s19+$0x6780] =	vst v0;
	s1 =	sadd.s32 $0x10, s1;
	s19 =	smov.u32 s0;
	s0 =	sadd.s32 $0x40, s0  }
.Ltmp0:
0x19: {  	(pc) =	sbr.rel @p1 .LBB2_2-.Ltmp0, $4  }
0x1a: {  	_ = 	snop  }
0x1b: {  	s19 =	sand.u32 $0xFE00, s19  }
0x1c: {  	s30 =	sand.u32 $0x70, s1;
	s19 =	sshrl.u32 s19, $0x2  }
0x1d: {  	s19 =	sor.u32 s30, s19  }
0x1e: {  	[tilespmem:s19+$0x6780] =	vst v0  }
0x1f: {  	[spmem:s7] =	stream.linear.scatter [tilespmem:s20], [sflag:$0x3], $0x2800, $0x38;
	[tilespmem:$0x1F000] =	vst v63  }
0x20: {  	_ = 	snop  }
0x21: {  	[spmem:s13] =	stream.linear.scatter [tilespmem:s20], [sflag:$0x3], $0x2800, $0x38;
	[tilespmem:$0x1F000] =	vst v63  }
0x22: {  	_ = 	snop  }
0x23: {  	[spmem:s14] =	stream.linear.scatter [tilespmem:s20], [sflag:$0x3], $0x2800, $0x38;
	[tilespmem:$0x1F000] =	vst v63  }
0x24: {  	_ = 	snop  }
0x25: {  	[spmem:s15] =	stream.linear.scatter [tilespmem:s20], [sflag:$0x3], $0x2800, $0x38;
	[tilespmem:$0x1F000] =	vst v63  }
0x26: {  	_ = 	snop  }
0x27: {  	[spmem:s16] =	stream.linear.scatter [tilespmem:s20], [sflag:$0x3], $0x2800, $0x38;
	[tilespmem:$0x1F000] =	vst v63  }
0x28: {  	_ = 	snop  }
0x29: {  	[spmem:s17] =	stream.linear.scatter [tilespmem:s20], [sflag:$0x3], $0x2800, $0x38;
	[tilespmem:$0x1F000] =	vst v63  }
0x2a: {  	_ = 	snop  }
0x2b: {  	[spmem:s18] =	stream.linear.scatter [tilespmem:s20], [sflag:$0x3], $0x2800, $0x38;
	[tilespmem:$0x1F000] =	vst v63  }
0x2c: {  	_ = 	snop  }
0x2d: {  	[spmem:s8] =	stream.linear.scatter [tilespmem:s20], [sflag:$0x3], $0x2000, $0x38;
	[tilespmem:$0x1F000] =	vst v63  }
0x2e: {  	s0 =	simm.s32 @!p0 $0x6780  }
0x2f: {  	[spmem:s9] =	stream.linear.scatter @!p0 [tilespmem:s0], [sflag:$0x3], $0x800, $0x38;
	[tilespmem:$0x1F000] =	vst v63  }
0x30: {  	_ =	swait.ge [sflag:s21], $0x2800  }
0x31: {  	[sflag:s21] =	ssyncset.done $0x0  }
0x32: {  	[sflag:s21] =	ssyncadd.s32 $0xFFFFD800  }
0x33: {  	_ =	swait.ge [sflag:s21], $0x2800  }
0x34: {  	[sflag:s21] =	ssyncset.done $0x0  }
0x35: {  	[sflag:s21] =	ssyncadd.s32 $0xFFFFD800  }
0x36: {  	_ =	swait.ge [sflag:s21], $0x2800  }
0x37: {  	[sflag:s21] =	ssyncset.done $0x0  }
0x38: {  	[sflag:s21] =	ssyncadd.s32 $0xFFFFD800  }
0x39: {  	_ =	swait.ge [sflag:s21], $0x2800  }
0x3a: {  	[sflag:s21] =	ssyncset.done $0x0  }
0x3b: {  	[sflag:s21] =	ssyncadd.s32 $0xFFFFD800  }
0x3c: {  	_ =	swait.ge [sflag:s21], $0x2800  }
0x3d: {  	[sflag:s21] =	ssyncset.done $0x0  }
0x3e: {  	[sflag:s21] =	ssyncadd.s32 $0xFFFFD800  }
0x3f: {  	_ =	swait.ge [sflag:s21], $0x2800  }
0x40: {  	[sflag:s21] =	ssyncset.done $0x0  }
0x41: {  	[sflag:s21] =	ssyncadd.s32 $0xFFFFD800  }
0x42: {  	_ =	swait.ge [sflag:s21], $0x2800  }
0x43: {  	[sflag:s21] =	ssyncset.done $0x0  }
0x44: {  	[sflag:s21] =	ssyncadd.s32 $0xFFFFD800  }
0x45: {  	_ =	swait.ge [sflag:s21], $0x2000  }
0x46: {  	[sflag:s21] =	ssyncset.done $0x0  }
0x47: {  	s0 =	simm.s32 @!p0 $0x3;
	[sflag:s21] =	ssyncadd.s32 $0xFFFFE000  }
0x48: {  	_ =	swait.ge @!p0 [sflag:s0], $0x800  }
0x49: {  	[sflag:s0] =	ssyncset.done @!p0 $0x0  }
0x4a: {  	[sflag:s0] =	ssyncadd.s32 @!p0 $0xFFFFF800  }
0x4b: {  	[bflag:$0x0] =	sbarrier.arrive $0xFFFF  }
0x4c: {  	_ =	swait.ge [sflag:s22], $0x2710  }
0x4d: {  	[sflag:s22] =	ssyncset.done $0x0  }
0x4e: {  	[sflag:s22] =	ssyncadd.s32 $0xFFFFD8F0  }
0x4f: {  	_ =	swait.ge [sflag:s23], $0x3E80  }
0x50: {  	[sflag:s23] =	ssyncset.done $0x0  }
0x51: {  	s1 =	simm.s32 $0x0;
	s0 =	simm.s32 $0x50;
	[sflag:s23] =	ssyncadd.s32 $0xFFFFC180  }
0x52: {  	[tilespmem:s20], [sflag:$0x1] =	stream.indirect.gather [hbm4b:s2+s0], $0x80, s1, s0, $0xb8;
	[tilespmem:$0x1F000] =	vst v63  }
0x53: {  	s1 =	sand.u32 $0x1, s1  }
0x54: {  	p1 =	seq.s32 s1, $0x1  }
0x55: {  	s1 =	simm.s32 @p1 $0x2  }
0x56: {  	_ =	swait.ge @p1 [sflag:s1], $0x2800  }
0x57: {  	[sflag:s1] =	ssyncset.done @p1 $0x0  }
0x58: {  	s19 =	simm.s32 @p1 $0x6780;
	[sflag:s1] =	ssyncadd.s32 @p1 $0xFFFFD800;
	s1 =	simm.s32 @p1 $0x50  }
0x59: {  	[tilespmem:s19], [sflag:$0x1] =	stream.indirect.gather @p1 [hbm4b:s2+s1], $0x80, s0, s1, $0xb8;
	[tilespmem:$0x1F000] =	vst v63  }
0x5a: {  	s30 =	simm.s32 @p1 $0x8F80;
	s31 =	simm.s32 @p1 $0x4;
	s19 =	simm.s32 $0x2780  }
0x5b: {  	[spmem:s3] =	stream.indirect.scatter.add.f32 @p1 [tilespmem:s30], [sflag:$0x4], $0x80, s19, s1, $0xb8;
	[tilespmem:$0x1F000] =	vst v63  }
0x5c: {  	_ =	swait.ge @p1 [sflag:s31], $0x2800  }
0x5d: {  	[sflag:s31] =	ssyncset.done @p1 $0x0  }
0x5e: {  	s1 =	simm.s32 @!p1 $0x1;
	[sflag:s31] =	ssyncadd.s32 @p1 $0xFFFFD800  }
0x5f: {  	_ =	swait.ge @!p1 [sflag:s1], $0x2800  }
0x60: {  	[sflag:s1] =	ssyncset.done @!p1 $0x0  }
0x61: {  	s30 =	simm.s32 @!p1 $0x8F80;
	[sflag:s1] =	ssyncadd.s32 @!p1 $0xFFFFD800;
	s1 =	simm.s32 @!p1 $0x50  }
0x62: {  	[tilespmem:s30], [sflag:$0x2] =	stream.indirect.gather @!p1 [hbm4b:s2+s1], $0x80, s0, s1, $0xb8;
	[tilespmem:$0x1F000] =	vst v63  }
0x63: {  	s31 =	simm.s32 $0x1;
	s30 =	simm.s32 @!p1 $0x6780;
	s0 =	simm.s32 @!p1 $0x5  }
0x64: {  	[spmem:s3] =	stream.indirect.scatter.add.f32 @!p1 [tilespmem:s30], [sflag:$0x5], $0x80, s19, s1, $0xb8;
	[tilespmem:$0x1F000] =	vst v63  }
0x65: {  	s1 =	simm.s32 $0x2;
	s30 =	simm.s32 $0x2800;
	_ =	swait.ge @!p1 [sflag:s0], $0x2800  }
0x66: {  	s19 =	sand.u32 $0x1, s31;
	s31 =	simm.s32 $0xA0;
	[sflag:s0] =	ssyncset.done @!p1 $0x0  }
.LBB2_4:
0x67: {  	[sflag:s0] =	ssyncadd.s32 @!p1 $0xFFFFD800  }
0x68: {  	p1 =	seq.s32 s19, $0x1;
	s19 =	smov.u32 s1;
	s1 =	sadd.s32 $0x1, s1  }
0x69: {  	p2 =	sne.s32 s1, $0x7C;
	s0 =	simm.s32 @p1 $0x2  }
0x6a: {  	_ =	swait.ge @p1 [sflag:s0], $0x2800  }
0x6b: {  	[sflag:s0] =	ssyncset.done @p1 $0x0  }
0x6c: {  	s24 =	simm.s32 @p1 $0x6780;
	[sflag:s0] =	ssyncadd.s32 @p1 $0xFFFFD800;
	s0 =	simm.s32 @p1 $0x50  }
0x6d: {  	[tilespmem:s24], [sflag:$0x1] =	stream.indirect.gather @p1 [hbm4b:s2+s0], $0x80, s31, s0, $0xb8;
	[tilespmem:$0x1F000] =	vst v63  }
0x6e: {  	s25 =	simm.s32 @p1 $0x4;
	s24 =	simm.s32 @p1 $0x8F80  }
0x6f: {  	[spmem:s3] =	stream.indirect.scatter.add.f32 @p1 [tilespmem:s24], [sflag:$0x4], $0x80, s30, s0, $0xb8;
	[tilespmem:$0x1F000] =	vst v63  }
0x70: {  	_ =	swait.ge @p1 [sflag:s25], $0x2800  }
0x71: {  	[sflag:s25] =	ssyncset.done @p1 $0x0  }
0x72: {  	s0 =	simm.s32 @!p1 $0x1;
	[sflag:s25] =	ssyncadd.s32 @p1 $0xFFFFD800  }
0x73: {  	_ =	swait.ge @!p1 [sflag:s0], $0x2800  }
0x74: {  	[sflag:s0] =	ssyncset.done @!p1 $0x0  }
0x75: {  	s24 =	simm.s32 @!p1 $0x50;
	[sflag:s0] =	ssyncadd.s32 @!p1 $0xFFFFD800;
	s0 =	simm.s32 @!p1 $0x8F80  }
0x76: {  	[tilespmem:s0], [sflag:$0x2] =	stream.indirect.gather @!p1 [hbm4b:s2+s24], $0x80, s31, s24, $0xb8;
	[tilespmem:$0x1F000] =	vst v63  }
.Ltmp1:
0x77: {  	_ = 	snop;
	(pc) =	sbr.rel @p2 .LBB2_4-.Ltmp1, $4  }
0x78: {  	s25 =	simm.s32 @!p1 $0x6780;
	s0 =	simm.s32 @!p1 $0x5  }
0x79: {  	[spmem:s3] =	stream.indirect.scatter.add.f32 @!p1 [tilespmem:s25], [sflag:$0x5], $0x80, s30, s24, $0xb8;
	[tilespmem:$0x1F000] =	vst v63  }
0x7a: {  	s30 =	sadd.s32 $0x80, s30;
	_ =	swait.ge @!p1 [sflag:s0], $0x2800  }
0x7b: {  	s19 =	sand.u32 $0x1, s19;
	s31 =	sadd.s32 $0x50, s31;
	[sflag:s0] =	ssyncset.done @!p1 $0x0  }
0x7c: {  	p2 =	seq.s32 s19, $0x1  }
0x7d: {  	[sflag:s0] =	ssyncadd.s32 @!p1 $0xFFFFD800;
	s0 =	simm.s32 @p2 $0x2  }
0x7e: {  	_ =	swait.ge @p2 [sflag:s0], $0x2800  }
0x7f: {  	[sflag:s0] =	ssyncset.done @p2 $0x0  }
0x80: {  	s1 =	simm.s32 @p2 $0x6780;
	[sflag:s0] =	ssyncadd.s32 @p2 $0xFFFFD800;
	s0 =	simm.s32 @p2 $0x50  }
0x81: {  	[tilespmem:s1], [sflag:$0x1] =	stream.indirect.gather @p2 [hbm4b:s2+s0], $0x80, s31, s0, $0xb8;
	[tilespmem:$0x1F000] =	vst v63  }
0x82: {  	s19 =	simm.s32 @p2 $0x4;
	s1 =	simm.s32 @p2 $0x8F80  }
0x83: {  	[spmem:s3] =	stream.indirect.scatter.add.f32 @p2 [tilespmem:s1], [sflag:$0x4], $0x80, s30, s0, $0xb8;
	[tilespmem:$0x1F000] =	vst v63  }
0x84: {  	_ =	swait.ge @p2 [sflag:s19], $0x2800  }
0x85: {  	[sflag:s19] =	ssyncset.done @p2 $0x0  }
0x86: {  	s0 =	simm.s32 @!p2 $0x1;
	[sflag:s19] =	ssyncadd.s32 @p2 $0xFFFFD800  }
0x87: {  	_ =	swait.ge @!p2 [sflag:s0], $0x2800  }
0x88: {  	[sflag:s0] =	ssyncset.done @!p2 $0x0  }
0x89: {  	s1 =	simm.s32 @!p2 $0x8F80;
	[sflag:s0] =	ssyncadd.s32 @!p2 $0xFFFFD800;
	s0 =	simm.s32 @!p2 $0x50  }
0x8a: {  	[tilespmem:s1], [sflag:$0x2] =	stream.indirect.gather @!p2 [hbm4b:s2+s0], $0x80, s31, s0, $0xb8;
	[tilespmem:$0x1F000] =	vst v63  }
0x8b: {  	s19 =	simm.s32 @!p2 $0x5;
	s1 =	simm.s32 @!p2 $0x6780  }
0x8c: {  	[spmem:s3] =	stream.indirect.scatter.add.f32 @!p2 [tilespmem:s1], [sflag:$0x5], $0x80, s30, s0, $0xb8;
	[tilespmem:$0x1F000] =	vst v63  }
0x8d: {  	_ =	swait.ge @!p2 [sflag:s19], $0x2800  }
0x8e: {  	[sflag:s19] =	ssyncset.done @!p2 $0x0  }
0x8f: {  	[sflag:s19] =	ssyncadd.s32 @!p2 $0xFFFFD800  }
0x90: {  	_ =	swait.ge [sflag:s22], $0x2800  }
0x91: {  	[sflag:s22] =	ssyncset.done $0x0  }
0x92: {  	s24 =	simm.s32 $0x50;
	s25 =	simm.s32 $0x6580;
	[sflag:s22] =	ssyncadd.s32 $0xFFFFD800  }
0x93: {  	[spmem:s3] =	stream.indirect.scatter.add.f32 [tilespmem:s20], [sflag:$0x5], $0x80, s25, s24, $0xb8;
	[tilespmem:$0x1F000] =	vst v63  }
0x94: {  	_ =	swait.ge [sflag:s26], $0x2800  }
0x95: {  	s30 =	stileid.u32;
	[sflag:s26] =	ssyncset.done $0x0  }
0x96: {  	s0 =	sshll.u32 s30, $0x6;
	[sflag:s26] =	ssyncadd.s32 $0xFFFFD800  }
0x97: {  	s31 =	sshrl.u32 s7, $0x3;
	s0 =	sor.u32 $0x1C04, s0;
	[bflag:$0x0] =	sbarrier.arrive $0xFFFF  }
0x98: {  	[hbm:s10], [sflag:s0] =	dma.local [spmem:s31], $0x2700  }
0x99: {  	_ =	swait.ge [sflag:s28], $0x2700  }
0x9a: {  	s29 =	sadd.s32 $0x1, s29;
	[sflag:s28] =	ssyncset.done $0x0  }
0x9b: {  	p1 =	sne.s32 s29, s12;
	s1 =	sshrl.u32 @!p0 s9, $0x3;
	[sflag:s28] =	ssyncadd.s32 $0xFFFFD900  }
0x9c: {  	[hbm:s11], [sflag:s0] =	dma.local @!p0 [spmem:s1], $0x100  }
.Ltmp2:
0x9d: {  	_ = 	snop;
	(pc) =	sbr.rel @p1 .LBB2_1-.Ltmp2, $4  }
0x9e: {  	s0 =	simm.s32 @!p0 $0x4  }
0x9f: {  	_ =	swait.ge @!p0 [sflag:s0], $0x100  }
0xa0: {  	[sflag:s0] =	ssyncset.done @!p0 $0x0  }
0xa1: {  	[sflag:s0] =	ssyncadd.s32 @!p0 $0xFFFFFF00  }
0xa2: {  	_ =	sfence.sel $0x180000  }
0xa3: {  	[bflag:$0x0] =	sbarrier.arrive $0xFFFF  }
0xa4: {  	_ =	strace $0x90000047  }
0xa5: {  	s0 =	stileid.u32;
	[bflag:$0x2] =	sbarrier.arrive $0xFFFF  }
0xa6: {  	p0 =	sne.s32 s0, $0x0;
	s0 =	rddreg [dreg:$0x3]  }
0xa7: {  	s0 =	sadd.s32 @!p0 $0x100000, s0  }
0xa8: {  	[sflag:s0] =	ssyncadd.tile.s32 @!p0 $0x1;
	_ =	shalt  }
.Lfunc_end2:
_tile_overlayer_lowered:
.L_overlay_start_2:
0xa9: {  	(tag) =	ssettag $0x2  }
0xaa: {  	s0 =	rddreg [dreg:$0x0];
	s2 =	stileid.u32  }
0xab: {  	s1 =	rddreg [dreg:$0x1];
	p0 =	sne.s32 s2, $0x0  }
0xac: {  	s3 =	rddreg [dreg:$0x2];
	[bflag:$0x3] =	sbarrier.arrive $0xFFFF;
	s2 =	simm.s32 @!p0 $0x1C04  }
0xad: {  	[timem:s3], [sflag:s2] =	dma.local @!p0 [hbm:s0], s1  }
0xae: {  	s0 =	simm.s32 @!p0 $0x4  }
0xaf: {  	_ =	swait.ge @!p0 [sflag:s0], s1  }
0xb0: {  	s1 =	ssub.s32 @!p0 $0x0, s1;
	[sflag:s0] =	ssyncset.done @!p0 $0x0  }
0xb1: {  	[sflag:s0] =	ssyncadd.s32 @!p0 s1  }
0xb2: {  	[bflag:$0x3] =	sbarrier.arrive $0xFFFF  }
0xb3: {  	_ =	shalt  }

</sc_bundles>
